<compile_context>
chip_gen: v7x
topology: tpu7x:2x2x1
jax: 0.10.2.dev20260603
libtpu: 0.0.44.dev20260713+nightly
codegen_flags: <defaults>
</compile_context>

<pallas_src>
import functools

import jax
import jax.numpy as jnp
from jax import lax
from jax.experimental import pallas as pl
from jax.experimental.pallas import tpu as pltpu
from jax.experimental.pallas import tpu_sc as plsc

N = 4096
NV = 16
BI = 512
G = N // BI
AB = 512
GA = N // AB
CB = 1024
GC = N // CB
BJ = 512
GJ = N // BJ
SD = 40
TSTEPS = GA + 1 + GC + 1


def _rt_dot(a, b):
    return jax.lax.dot_general(
        a, b, (((1,), (1,)), ((), ())), preferred_element_type=jnp.float32
    )


def _fused_body(adj_ref, oh_ref, iso_ref, fo_ref, ranks_ref, counts_ref,
                colsum_ref, t_sig_ref, u_sig_ref, fo_s_ref, iso_s_ref):
    t = pl.program_id(0)

    @pl.when(t < GA)
    def _():
        adj = adj_ref[...]
        counts_ref[pl.ds(t * AB, AB), :] = jnp.dot(
            adj, oh_ref[...], preferred_element_type=jnp.float32
        )
        part = jnp.sum(adj, axis=0, keepdims=True)

        @pl.when(t == 0)
        def _():
            colsum_ref[...] = part

        @pl.when(t != 0)
        def _():
            colsum_ref[...] = colsum_ref[...] + part

    @pl.when(t == GA)
    def _():
        eye = (
            jax.lax.broadcasted_iota(jnp.int32, (BI, BI), 0)
            == jax.lax.broadcasted_iota(jnp.int32, (BI, BI), 1)
        ).astype(jnp.float32)
        cs_rows = [
            _rt_dot(eye, colsum_ref[:, pl.ds(b * BI, BI)]) for b in range(G)
        ]
        colsum_row = jnp.concatenate(cs_rows, axis=0)

        c = counts_ref[...]
        rowsum = jnp.sum(c, axis=1, keepdims=True)
        iso = (rowsum + colsum_row) == 0
        isof = iso.astype(jnp.float32)
        lane = jax.lax.broadcasted_iota(jnp.int32, (N, NV), 1).astype(
            jnp.float32
        )
        xval = jnp.sum(oh_ref[...] * lane, axis=1, keepdims=True)
        ci = c.astype(jnp.int32)
        hi = (ci >> 6).astype(jnp.float32)
        lo = (ci & 63).astype(jnp.float32)
        nrm = isof + xval * xval + jnp.sum(hi * hi + lo * lo, axis=1,
                                           keepdims=True)
        n2 = jnp.floor(nrm * (1.0 / 4096.0)) * 4096.0
        rem = nrm - n2
        n1 = jnp.floor(rem * (1.0 / 64.0)) * 64.0
        n0 = rem - n1
        ones3 = jnp.ones((N, 3), jnp.float32)
        tmat = jnp.concatenate(
            [2 * isof, 2 * xval, 2 * hi, 2 * lo, -n0, -n1, -n2, ones3], axis=1
        )
        umat = jnp.concatenate(
            [isof, xval, hi, lo, ones3, -n0, -n1, -n2], axis=1
        )
        t_sig_ref[...] = tmat.astype(jnp.bfloat16)
        u_sig_ref[...] = umat.astype(jnp.bfloat16)
        iso_ref[...] = iso.astype(jnp.int32)
        iso_s_ref[...] = iso.astype(jnp.int32)

    @pl.when((t > GA) & (t <= GA + GC))
    def _():
        i = t - GA - 1
        tb = t_sig_ref[pl.ds(i * CB, CB), :]

        def blockmin(jj):
            g2 = _rt_dot(tb, u_sig_ref[pl.ds(jj * BJ, BJ), :])
            idxj = jax.lax.broadcasted_iota(jnp.int32, (CB, BJ), 1) + jj * BJ
            cand = jnp.where(g2 == 0.0, idxj, jnp.int32(N))
            return jnp.min(cand, axis=1, keepdims=True)

        fo_ref[...] = blockmin(0)
        for jj in range(1, GJ):

            @pl.when(jj * BJ < (i + 1) * CB)
            def _():
                fo_ref[...] = jnp.minimum(fo_ref[...], blockmin(jj))
        fo_s_ref[pl.ds(i * CB, CB), :] = fo_ref[...]

    @pl.when(t == GA + GC + 1)
    def _():
        sub = jax.lax.broadcasted_iota(jnp.int32, (N, 1), 0)
        isf = (
            (fo_s_ref[...] == sub) & (iso_s_ref[...] == 0)
        ).astype(jnp.float32)
        tril = (
            jax.lax.broadcasted_iota(jnp.int32, (BI, BI), 0)
            >= jax.lax.broadcasted_iota(jnp.int32, (BI, BI), 1)
        ).astype(jnp.float32)
        carry = jnp.zeros((), jnp.float32)
        for b in range(G):
            isf_b = isf[b * BI : (b + 1) * BI, :]
            acc = (
                jnp.dot(tril, isf_b, preferred_element_type=jnp.float32)
                + carry
            )
            ranks_ref[pl.ds(b * BI, BI), :] = acc.astype(jnp.int32)
            carry = carry + jnp.sum(isf_b)


SC_NC = 2
SC_NS = 16
SC_L = 16
SC_NW = SC_NC * SC_NS
SC_CHUNKS = N // SC_L
SC_PERW = N // SC_NW


def _colors_sc_body(fo_hbm, iso_hbm, ranks_hbm, out_hbm, fo_v, iso_v,
                    gath_v, out_v, sem):
    wid = lax.axis_index("s") * SC_NC + lax.axis_index("c")
    base = wid * SC_PERW
    pltpu.sync_copy(fo_hbm.at[pl.ds(base, SC_PERW)], fo_v)
    pltpu.sync_copy(iso_hbm.at[pl.ds(base, SC_PERW)], iso_v)
    pltpu.async_copy(ranks_hbm.at[fo_v], gath_v, sem).wait()
    for k in range(SC_PERW // SC_L):
        r = gath_v[pl.ds(k * SC_L, SC_L)]
        io = iso_v[pl.ds(k * SC_L, SC_L)]
        out_v[pl.ds(k * SC_L, SC_L)] = jnp.where(io == 1, 0, r)
    pltpu.sync_copy(out_v, out_hbm.at[pl.ds(base, SC_PERW)])


def _colors_body(fo_ref, iso_ref, foT_ref, isoT_ref, colors_ref):
    fo = fo_ref[...]
    iso = iso_ref[...]
    foT = foT_ref[...]
    isoT = isoT_ref[...]
    lane = jax.lax.broadcasted_iota(jnp.int32, (1, N), 1)
    is_first = (foT == lane) & (isoT == 0)
    le = jax.lax.broadcasted_iota(jnp.int32, (BI, N), 1) <= fo
    ranks = jnp.sum((le & is_first).astype(jnp.int32), axis=1, keepdims=True)
    colors_ref[...] = jnp.where(iso == 1, 0, ranks)


def kernel(x, adj_t):
    x32 = x.astype(jnp.int32).reshape(N, 1)
    onehot = (x32 == jnp.arange(NV, dtype=jnp.int32)[None, :]).astype(jnp.float32)

    iso, fo, ranks = pl.pallas_call(
        _fused_body,
        grid=(TSTEPS,),
        in_specs=[
            pl.BlockSpec((AB, N), lambda t: (jnp.minimum(t, GA - 1), 0)),
            pl.BlockSpec((N, NV), lambda t: (0, 0)),
        ],
        out_specs=[
            pl.BlockSpec((N, 1), lambda t: (0, 0)),
            pl.BlockSpec(
                (CB, 1), lambda t: (jnp.clip(t - GA - 1, 0, GC - 1), 0)
            ),
            pl.BlockSpec((N, 1), lambda t: (0, 0)),
        ],
        out_shape=[
            jax.ShapeDtypeStruct((N, 1), jnp.int32),
            jax.ShapeDtypeStruct((N, 1), jnp.int32),
            jax.ShapeDtypeStruct((N, 1), jnp.int32),
        ],
        scratch_shapes=[
            pltpu.VMEM((N, NV), jnp.float32),
            pltpu.VMEM((1, N), jnp.float32),
            pltpu.VMEM((N, SD), jnp.bfloat16),
            pltpu.VMEM((N, SD), jnp.bfloat16),
            pltpu.VMEM((N, 1), jnp.int32),
            pltpu.VMEM((N, 1), jnp.int32),
        ],
        compiler_params=pltpu.CompilerParams(
            vmem_limit_bytes=100 * 1024 * 1024
        ),
    )(adj_t, onehot)

    colors_sc = functools.partial(
        pl.kernel,
        mesh=plsc.VectorSubcoreMesh(core_axis_name="c", subcore_axis_name="s"),
        out_type=jax.ShapeDtypeStruct((N,), jnp.int32),
        scratch_types=[
            pltpu.VMEM((SC_PERW,), jnp.int32),
            pltpu.VMEM((SC_PERW,), jnp.int32),
            pltpu.VMEM((SC_PERW,), jnp.int32),
            pltpu.VMEM((SC_PERW,), jnp.int32),
            pltpu.SemaphoreType.DMA,
        ],
    )(_colors_sc_body)
    colors = colors_sc(fo.reshape(N), iso.reshape(N), ranks.reshape(N))

    return colors.astype(jnp.int64)

# --- scband reference (transcript-rebuilt; emitter-appended) ---
"""Pipeline reference for scband-weisfiler-lehman-conv-55027120997021 (READ-ONLY COPY).

The authoritative reference and input builder live on the scoring server;
editing this copy changes nothing except your own understanding.
"""

import jax, jax.numpy as jnp
import numpy as np
from collections import OrderedDict


def setup_inputs(seed: int = 0) -> dict:
    key = jax.random.key(seed)
    k1, k2 = jax.random.split(key)
    N = 4096
    adj_t = jax.random.randint(k1, (N, N), 0, 2).astype(jnp.float32)
    x = jax.random.randint(k2, (N,), 0, 16)
    return {"x": x, "adj_t": adj_t}


def _wl_convolve(x, adj, exclude_isolate=True, pass_message=True, training=True):
    # Faithful port of WeisfilerLehmanConv.convolve (training mode, exclude_isolate=True)
    # Color ids are assigned in order of first appearance; id 0 is reserved for 'isolate'.
    N = x.shape[0]
    adj_i = adj.astype(jnp.int32)
    row_sum = adj_i.sum(axis=1)
    col_sum = adj_i.sum(axis=0)
    isolate = (row_sum + col_sum) == 0
    num_vals = 16  # setup_inputs draws x in [0, 16)
    onehot = (x[:, None] == jnp.arange(num_vals, dtype=x.dtype)[None, :]).astype(jnp.int32)
    counts = adj_i @ onehot  # binary adjacency: multiset of neighbor colors as counts
    sig = jnp.concatenate(
        [isolate.astype(jnp.int32)[:, None], x.astype(jnp.int32)[:, None], counts],
        axis=1,
    )
    eq = sig[:, None, 0] == sig[None, :, 0]
    for k in range(1, sig.shape[1]):
        eq = eq & (sig[:, None, k] == sig[None, :, k])
    first_occ = jnp.argmax(eq, axis=1)  # first index with equal signature
    is_first = (first_occ == jnp.arange(N)) & (~isolate)
    ranks = jnp.cumsum(is_first.astype(jnp.int64))  # inclusive; first new color gets 1
    colors = jnp.where(isolate, jnp.int64(0), ranks[first_occ])
    return colors


def reference(x, adj_t):
    # forward(x, adj_t) with batch=None, norm=True, return_embedding=False
    x_flat = x.astype(jnp.int64).reshape(-1)
    colors = _wl_convolve(x_flat, adj_t)
    # histogram branch (executed inside forward even though the return value is `x`)
    N = x_flat.shape[0]
    batch = np.zeros(N, dtype=np.int64)
    batch_size = int(batch.max()) + 1
    # fixed-shape masked histogram: color ids lie in [0, N], slot 0 is 'isolate'
    hist = jnp.zeros((batch_size, N + 1), dtype=jnp.int64)
    hist = hist.at[jnp.asarray(batch), colors].add(1)
    hist = hist[:, 1:]  # exclude_isolate
    histf = hist.astype(jnp.float64)
    histf = histf / jnp.linalg.norm(histf, axis=-1, keepdims=True)
    _ = histf  # computed but discarded, as in the torch forward
    return colors

if __name__ == "__main__":
    import jax
    _d = setup_inputs()
    print(jax.jit(kernel)(*tuple(_d.values())))

</pallas_src>

<mosaic_0001>
#map = affine_map<(d0, d1) -> (0)>
module attributes {stable_mosaic.version = 14 : i64} {
  func.func @_colors_sc_body(%arg0: i32, %arg1: i32, %arg2: memref<4096xi32, #tpu.memory_space<hbm>>, %arg3: memref<4096xi32, #tpu.memory_space<hbm>>, %arg4: memref<4096xi32, #tpu.memory_space<hbm>>, %arg5: memref<4096xi32, #tpu.memory_space<hbm>>, %arg6: memref<128xi32, #tpu.memory_space<vmem>>, %arg7: memref<128xi32, #tpu.memory_space<vmem>>, %arg8: memref<128xi32, #tpu.memory_space<vmem>>, %arg9: memref<128xi32, #tpu.memory_space<vmem>>, %arg10: memref<!tpu.dma_semaphore, #tpu.memory_space<semaphore_mem>>) attributes {dimension_semantics = [#tpu.dimension_semantics<core_parallel>, #tpu.dimension_semantics<subcore_parallel>], iteration_bounds = array<i64: 2, 16>, scalar_prefetch = 0 : i64, scratch_operands = 5 : i64, tpu.core_type = #tpu.core_type<sc_vector_subcore>, window_params = [{transform_indices = #map}, {transform_indices = #map}, {transform_indices = #map}, {transform_indices = #map}]} {
    %mul3A = arith.constant 2 : i32
    %mul3A_0 = arith.muli %arg1, %mul3A : i32
    %add3A = arith.addi %mul3A_0, %arg0 : i32
    %mul3A_1 = arith.constant 128 : i32
    %mul3A_2 = arith.muli %add3A, %mul3A_1 : i32
    "tpu.region"() ({
      %run_scoped3A = tpu.sem_alloc : memref<!tpu.dma_semaphore, #tpu.memory_space<semaphore_mem>>
      %dma_start3A_127 = tpu.memref_slice %arg2[%mul3A_2] : memref<4096xi32, #tpu.memory_space<hbm>> -> memref<128xi32, #tpu.memory_space<hbm>>
      %dma_start3A_128 = tpu.memref_slice %arg2[%mul3A_2] : memref<4096xi32, #tpu.memory_space<hbm>> -> memref<128xi32, #tpu.memory_space<hbm>>
      tpu.enqueue_dma source(%dma_start3A_128 : memref<128xi32, #tpu.memory_space<hbm>>) target(%arg6 : memref<128xi32, #tpu.memory_space<vmem>>) target_semaphore(%run_scoped3A : memref<!tpu.dma_semaphore, #tpu.memory_space<semaphore_mem>>)
      %dma_wait3A_129 = tpu.memref_slice %arg2[%mul3A_2] : memref<4096xi32, #tpu.memory_space<hbm>> -> memref<128xi32, #tpu.memory_space<hbm>>
      %dma_wait3A_130 = tpu.memref_slice %arg2[%mul3A_2] : memref<4096xi32, #tpu.memory_space<hbm>> -> memref<128xi32, #tpu.memory_space<hbm>>
      tpu.wait_dma2 semaphore(%run_scoped3A : memref<!tpu.dma_semaphore, #tpu.memory_space<semaphore_mem>>) src(%dma_wait3A_130 : memref<128xi32, #tpu.memory_space<hbm>>) dst(%arg6 : memref<128xi32, #tpu.memory_space<vmem>>)
      tpu.yield
    }) : () -> ()
    "tpu.region"() ({
      %run_scoped3A = tpu.sem_alloc : memref<!tpu.dma_semaphore, #tpu.memory_space<semaphore_mem>>
      %dma_start3A_127 = tpu.memref_slice %arg3[%mul3A_2] : memref<4096xi32, #tpu.memory_space<hbm>> -> memref<128xi32, #tpu.memory_space<hbm>>
      %dma_start3A_128 = tpu.memref_slice %arg3[%mul3A_2] : memref<4096xi32, #tpu.memory_space<hbm>> -> memref<128xi32, #tpu.memory_space<hbm>>
      tpu.enqueue_dma source(%dma_start3A_128 : memref<128xi32, #tpu.memory_space<hbm>>) target(%arg7 : memref<128xi32, #tpu.memory_space<vmem>>) target_semaphore(%run_scoped3A : memref<!tpu.dma_semaphore, #tpu.memory_space<semaphore_mem>>)
      %dma_wait3A_129 = tpu.memref_slice %arg3[%mul3A_2] : memref<4096xi32, #tpu.memory_space<hbm>> -> memref<128xi32, #tpu.memory_space<hbm>>
      %dma_wait3A_130 = tpu.memref_slice %arg3[%mul3A_2] : memref<4096xi32, #tpu.memory_space<hbm>> -> memref<128xi32, #tpu.memory_space<hbm>>
      tpu.wait_dma2 semaphore(%run_scoped3A : memref<!tpu.dma_semaphore, #tpu.memory_space<semaphore_mem>>) src(%dma_wait3A_130 : memref<128xi32, #tpu.memory_space<hbm>>) dst(%arg7 : memref<128xi32, #tpu.memory_space<vmem>>)
      tpu.yield
    }) : () -> ()
    %dma_start3A = arith.constant 0 : i32
    %dma_start3A_3 = tpu.memref_slice %arg4[%dma_start3A] : memref<4096xi32, #tpu.memory_space<hbm>> -> memref<4096xi32, #tpu.memory_space<hbm>>
    tpu.enqueue_indirect_dma source(%dma_start3A_3 : memref<4096xi32, #tpu.memory_space<hbm>>) target(%arg8 : memref<128xi32, #tpu.memory_space<vmem>>) offsets(%arg6 : memref<128xi32, #tpu.memory_space<vmem>>) semaphore(%arg10 : memref<!tpu.dma_semaphore, #tpu.memory_space<semaphore_mem>>)
    %dma_wait3A = arith.constant 0 : i32
    %dma_wait3A_4 = tpu.memref_slice %arg4[%dma_wait3A] : memref<4096xi32, #tpu.memory_space<hbm>> -> memref<4096xi32, #tpu.memory_space<hbm>>
    tpu.wait_indirect_dma semaphore(%arg10 : memref<!tpu.dma_semaphore, #tpu.memory_space<semaphore_mem>>) src(%dma_wait3A_4 : memref<4096xi32, #tpu.memory_space<hbm>>) dst(%arg8 : memref<128xi32, #tpu.memory_space<vmem>>)
    %get3A = arith.constant 0 : index
    %get3A_5 = tpu.vector_load %arg8[%get3A] {strides = array<i32>} : memref<128xi32, #tpu.memory_space<vmem>>, vector<16xi32>,
    %get3A_6 = vector.shape_cast %get3A_5 : vector<16xi32> to vector<16xi32>
    %get3A_7 = arith.constant 0 : index
    %get3A_8 = tpu.vector_load %arg7[%get3A_7] {strides = array<i32>} : memref<128xi32, #tpu.memory_space<vmem>>, vector<16xi32>,
    %get3A_9 = vector.shape_cast %get3A_8 : vector<16xi32> to vector<16xi32>
    %eq3A = arith.constant 1 : i32
    %eq3A_10 = vector.broadcast %eq3A : i32 to vector<16xi32>
    %eq3A_11 = arith.cmpi eq, %get3A_9, %eq3A_10 : vector<16xi32>
    %jit3A = arith.constant 0 : i32
    %broadcast_in_dim3A = vector.broadcast %jit3A : i32 to vector<16xi32>
    %select_n3A = arith.select %eq3A_11, %broadcast_in_dim3A, %get3A_6 : vector<16xi1>, vector<16xi32>
    %swap3A = arith.constant 0 : index
    %swap3A_12 = tpu.vector_load %arg9[%swap3A] {strides = array<i32>} : memref<128xi32, #tpu.memory_space<vmem>>, vector<16xi32>,
    %swap3A_13 = vector.shape_cast %swap3A_12 : vector<16xi32> to vector<16xi32>
    %swap3A_14 = vector.shape_cast %select_n3A : vector<16xi32> to vector<16xi32>
    tpu.vector_store %arg9[%swap3A], %swap3A_14 {strides = array<i32>} : memref<128xi32, #tpu.memory_space<vmem>>, vector<16xi32>,
    %get3A_15 = arith.constant 16 : index
    %get3A_16 = tpu.vector_load %arg8[%get3A_15] {strides = array<i32>} : memref<128xi32, #tpu.memory_space<vmem>>, vector<16xi32>,
    %get3A_17 = vector.shape_cast %get3A_16 : vector<16xi32> to vector<16xi32>
    %get3A_18 = arith.constant 16 : index
    %get3A_19 = tpu.vector_load %arg7[%get3A_18] {strides = array<i32>} : memref<128xi32, #tpu.memory_space<vmem>>, vector<16xi32>,
    %get3A_20 = vector.shape_cast %get3A_19 : vector<16xi32> to vector<16xi32>
    %eq3A_21 = arith.constant 1 : i32
    %eq3A_22 = vector.broadcast %eq3A_21 : i32 to vector<16xi32>
    %eq3A_23 = arith.cmpi eq, %get3A_20, %eq3A_22 : vector<16xi32>
    %jit3A_24 = arith.constant 0 : i32
    %broadcast_in_dim3A_25 = vector.broadcast %jit3A_24 : i32 to vector<16xi32>
    %select_n3A_26 = arith.select %eq3A_23, %broadcast_in_dim3A_25, %get3A_17 : vector<16xi1>, vector<16xi32>
    %swap3A_27 = arith.constant 16 : index
    %swap3A_28 = tpu.vector_load %arg9[%swap3A_27] {strides = array<i32>} : memref<128xi32, #tpu.memory_space<vmem>>, vector<16xi32>,
    %swap3A_29 = vector.shape_cast %swap3A_28 : vector<16xi32> to vector<16xi32>
    %swap3A_30 = vector.shape_cast %select_n3A_26 : vector<16xi32> to vector<16xi32>
    tpu.vector_store %arg9[%swap3A_27], %swap3A_30 {strides = array<i32>} : memref<128xi32, #tpu.memory_space<vmem>>, vector<16xi32>,
    %get3A_31 = arith.constant 32 : index
    %get3A_32 = tpu.vector_load %arg8[%get3A_31] {strides = array<i32>} : memref<128xi32, #tpu.memory_space<vmem>>, vector<16xi32>,
    %get3A_33 = vector.shape_cast %get3A_32 : vector<16xi32> to vector<16xi32>
    %get3A_34 = arith.constant 32 : index
    %get3A_35 = tpu.vector_load %arg7[%get3A_34] {strides = array<i32>} : memref<128xi32, #tpu.memory_space<vmem>>, vector<16xi32>,
    %get3A_36 = vector.shape_cast %get3A_35 : vector<16xi32> to vector<16xi32>
    %eq3A_37 = arith.constant 1 : i32
    %eq3A_38 = vector.broadcast %eq3A_37 : i32 to vector<16xi32>
    %eq3A_39 = arith.cmpi eq, %get3A_36, %eq3A_38 : vector<16xi32>
    %jit3A_40 = arith.constant 0 : i32
    %broadcast_in_dim3A_41 = vector.broadcast %jit3A_40 : i32 to vector<16xi32>
    %select_n3A_42 = arith.select %eq3A_39, %broadcast_in_dim3A_41, %get3A_33 : vector<16xi1>, vector<16xi32>
    %swap3A_43 = arith.constant 32 : index
    %swap3A_44 = tpu.vector_load %arg9[%swap3A_43] {strides = array<i32>} : memref<128xi32, #tpu.memory_space<vmem>>, vector<16xi32>,
    %swap3A_45 = vector.shape_cast %swap3A_44 : vector<16xi32> to vector<16xi32>
    %swap3A_46 = vector.shape_cast %select_n3A_42 : vector<16xi32> to vector<16xi32>
    tpu.vector_store %arg9[%swap3A_43], %swap3A_46 {strides = array<i32>} : memref<128xi32, #tpu.memory_space<vmem>>, vector<16xi32>,
    %get3A_47 = arith.constant 48 : index
    %get3A_48 = tpu.vector_load %arg8[%get3A_47] {strides = array<i32>} : memref<128xi32, #tpu.memory_space<vmem>>, vector<16xi32>,
    %get3A_49 = vector.shape_cast %get3A_48 : vector<16xi32> to vector<16xi32>
    %get3A_50 = arith.constant 48 : index
    %get3A_51 = tpu.vector_load %arg7[%get3A_50] {strides = array<i32>} : memref<128xi32, #tpu.memory_space<vmem>>, vector<16xi32>,
    %get3A_52 = vector.shape_cast %get3A_51 : vector<16xi32> to vector<16xi32>
    %eq3A_53 = arith.constant 1 : i32
    %eq3A_54 = vector.broadcast %eq3A_53 : i32 to vector<16xi32>
    %eq3A_55 = arith.cmpi eq, %get3A_52, %eq3A_54 : vector<16xi32>
    %jit3A_56 = arith.constant 0 : i32
    %broadcast_in_dim3A_57 = vector.broadcast %jit3A_56 : i32 to vector<16xi32>
    %select_n3A_58 = arith.select %eq3A_55, %broadcast_in_dim3A_57, %get3A_49 : vector<16xi1>, vector<16xi32>
    %swap3A_59 = arith.constant 48 : index
    %swap3A_60 = tpu.vector_load %arg9[%swap3A_59] {strides = array<i32>} : memref<128xi32, #tpu.memory_space<vmem>>, vector<16xi32>,
    %swap3A_61 = vector.shape_cast %swap3A_60 : vector<16xi32> to vector<16xi32>
    %swap3A_62 = vector.shape_cast %select_n3A_58 : vector<16xi32> to vector<16xi32>
    tpu.vector_store %arg9[%swap3A_59], %swap3A_62 {strides = array<i32>} : memref<128xi32, #tpu.memory_space<vmem>>, vector<16xi32>,
    %get3A_63 = arith.constant 64 : index
    %get3A_64 = tpu.vector_load %arg8[%get3A_63] {strides = array<i32>} : memref<128xi32, #tpu.memory_space<vmem>>, vector<16xi32>,
    %get3A_65 = vector.shape_cast %get3A_64 : vector<16xi32> to vector<16xi32>
    %get3A_66 = arith.constant 64 : index
    %get3A_67 = tpu.vector_load %arg7[%get3A_66] {strides = array<i32>} : memref<128xi32, #tpu.memory_space<vmem>>, vector<16xi32>,
    %get3A_68 = vector.shape_cast %get3A_67 : vector<16xi32> to vector<16xi32>
    %eq3A_69 = arith.constant 1 : i32
    %eq3A_70 = vector.broadcast %eq3A_69 : i32 to vector<16xi32>
    %eq3A_71 = arith.cmpi eq, %get3A_68, %eq3A_70 : vector<16xi32>
    %jit3A_72 = arith.constant 0 : i32
    %broadcast_in_dim3A_73 = vector.broadcast %jit3A_72 : i32 to vector<16xi32>
    %select_n3A_74 = arith.select %eq3A_71, %broadcast_in_dim3A_73, %get3A_65 : vector<16xi1>, vector<16xi32>
    %swap3A_75 = arith.constant 64 : index
    %swap3A_76 = tpu.vector_load %arg9[%swap3A_75] {strides = array<i32>} : memref<128xi32, #tpu.memory_space<vmem>>, vector<16xi32>,
    %swap3A_77 = vector.shape_cast %swap3A_76 : vector<16xi32> to vector<16xi32>
    %swap3A_78 = vector.shape_cast %select_n3A_74 : vector<16xi32> to vector<16xi32>
    tpu.vector_store %arg9[%swap3A_75], %swap3A_78 {strides = array<i32>} : memref<128xi32, #tpu.memory_space<vmem>>, vector<16xi32>,
    %get3A_79 = arith.constant 80 : index
    %get3A_80 = tpu.vector_load %arg8[%get3A_79] {strides = array<i32>} : memref<128xi32, #tpu.memory_space<vmem>>, vector<16xi32>,
    %get3A_81 = vector.shape_cast %get3A_80 : vector<16xi32> to vector<16xi32>
    %get3A_82 = arith.constant 80 : index
    %get3A_83 = tpu.vector_load %arg7[%get3A_82] {strides = array<i32>} : memref<128xi32, #tpu.memory_space<vmem>>, vector<16xi32>,
    %get3A_84 = vector.shape_cast %get3A_83 : vector<16xi32> to vector<16xi32>
    %eq3A_85 = arith.constant 1 : i32
    %eq3A_86 = vector.broadcast %eq3A_85 : i32 to vector<16xi32>
    %eq3A_87 = arith.cmpi eq, %get3A_84, %eq3A_86 : vector<16xi32>
    %jit3A_88 = arith.constant 0 : i32
    %broadcast_in_dim3A_89 = vector.broadcast %jit3A_88 : i32 to vector<16xi32>
    %select_n3A_90 = arith.select %eq3A_87, %broadcast_in_dim3A_89, %get3A_81 : vector<16xi1>, vector<16xi32>
    %swap3A_91 = arith.constant 80 : index
    %swap3A_92 = tpu.vector_load %arg9[%swap3A_91] {strides = array<i32>} : memref<128xi32, #tpu.memory_space<vmem>>, vector<16xi32>,
    %swap3A_93 = vector.shape_cast %swap3A_92 : vector<16xi32> to vector<16xi32>
    %swap3A_94 = vector.shape_cast %select_n3A_90 : vector<16xi32> to vector<16xi32>
    tpu.vector_store %arg9[%swap3A_91], %swap3A_94 {strides = array<i32>} : memref<128xi32, #tpu.memory_space<vmem>>, vector<16xi32>,
    %get3A_95 = arith.constant 96 : index
    %get3A_96 = tpu.vector_load %arg8[%get3A_95] {strides = array<i32>} : memref<128xi32, #tpu.memory_space<vmem>>, vector<16xi32>,
    %get3A_97 = vector.shape_cast %get3A_96 : vector<16xi32> to vector<16xi32>
    %get3A_98 = arith.constant 96 : index
    %get3A_99 = tpu.vector_load %arg7[%get3A_98] {strides = array<i32>} : memref<128xi32, #tpu.memory_space<vmem>>, vector<16xi32>,
    %get3A_100 = vector.shape_cast %get3A_99 : vector<16xi32> to vector<16xi32>
    %eq3A_101 = arith.constant 1 : i32
    %eq3A_102 = vector.broadcast %eq3A_101 : i32 to vector<16xi32>
    %eq3A_103 = arith.cmpi eq, %get3A_100, %eq3A_102 : vector<16xi32>
    %jit3A_104 = arith.constant 0 : i32
    %broadcast_in_dim3A_105 = vector.broadcast %jit3A_104 : i32 to vector<16xi32>
    %select_n3A_106 = arith.select %eq3A_103, %broadcast_in_dim3A_105, %get3A_97 : vector<16xi1>, vector<16xi32>
    %swap3A_107 = arith.constant 96 : index
    %swap3A_108 = tpu.vector_load %arg9[%swap3A_107] {strides = array<i32>} : memref<128xi32, #tpu.memory_space<vmem>>, vector<16xi32>,
    %swap3A_109 = vector.shape_cast %swap3A_108 : vector<16xi32> to vector<16xi32>
    %swap3A_110 = vector.shape_cast %select_n3A_106 : vector<16xi32> to vector<16xi32>
    tpu.vector_store %arg9[%swap3A_107], %swap3A_110 {strides = array<i32>} : memref<128xi32, #tpu.memory_space<vmem>>, vector<16xi32>,
    %get3A_111 = arith.constant 112 : index
    %get3A_112 = tpu.vector_load %arg8[%get3A_111] {strides = array<i32>} : memref<128xi32, #tpu.memory_space<vmem>>, vector<16xi32>,
    %get3A_113 = vector.shape_cast %get3A_112 : vector<16xi32> to vector<16xi32>
    %get3A_114 = arith.constant 112 : index
    %get3A_115 = tpu.vector_load %arg7[%get3A_114] {strides = array<i32>} : memref<128xi32, #tpu.memory_space<vmem>>, vector<16xi32>,
    %get3A_116 = vector.shape_cast %get3A_115 : vector<16xi32> to vector<16xi32>
    %eq3A_117 = arith.constant 1 : i32
    %eq3A_118 = vector.broadcast %eq3A_117 : i32 to vector<16xi32>
    %eq3A_119 = arith.cmpi eq, %get3A_116, %eq3A_118 : vector<16xi32>
    %jit3A_120 = arith.constant 0 : i32
    %broadcast_in_dim3A_121 = vector.broadcast %jit3A_120 : i32 to vector<16xi32>
    %select_n3A_122 = arith.select %eq3A_119, %broadcast_in_dim3A_121, %get3A_113 : vector<16xi1>, vector<16xi32>
    %swap3A_123 = arith.constant 112 : index
    %swap3A_124 = tpu.vector_load %arg9[%swap3A_123] {strides = array<i32>} : memref<128xi32, #tpu.memory_space<vmem>>, vector<16xi32>,
    %swap3A_125 = vector.shape_cast %swap3A_124 : vector<16xi32> to vector<16xi32>
    %swap3A_126 = vector.shape_cast %select_n3A_122 : vector<16xi32> to vector<16xi32>
    tpu.vector_store %arg9[%swap3A_123], %swap3A_126 {strides = array<i32>} : memref<128xi32, #tpu.memory_space<vmem>>, vector<16xi32>,
    "tpu.region"() ({
      %run_scoped3A = tpu.sem_alloc : memref<!tpu.dma_semaphore, #tpu.memory_space<semaphore_mem>>
      %dma_start3A_127 = tpu.memref_slice %arg5[%mul3A_2] : memref<4096xi32, #tpu.memory_space<hbm>> -> memref<128xi32, #tpu.memory_space<hbm>>
      %dma_start3A_128 = tpu.memref_slice %arg5[%mul3A_2] : memref<4096xi32, #tpu.memory_space<hbm>> -> memref<128xi32, #tpu.memory_space<hbm>>
      tpu.enqueue_dma source(%arg9 : memref<128xi32, #tpu.memory_space<vmem>>) target(%dma_start3A_128 : memref<128xi32, #tpu.memory_space<hbm>>) target_semaphore(%run_scoped3A : memref<!tpu.dma_semaphore, #tpu.memory_space<semaphore_mem>>)
      %dma_wait3A_129 = tpu.memref_slice %arg5[%mul3A_2] : memref<4096xi32, #tpu.memory_space<hbm>> -> memref<128xi32, #tpu.memory_space<hbm>>
      %dma_wait3A_130 = tpu.memref_slice %arg5[%mul3A_2] : memref<4096xi32, #tpu.memory_space<hbm>> -> memref<128xi32, #tpu.memory_space<hbm>>
      tpu.wait_dma2 semaphore(%run_scoped3A : memref<!tpu.dma_semaphore, #tpu.memory_space<semaphore_mem>>) src(%arg9 : memref<128xi32, #tpu.memory_space<vmem>>) dst(%dma_wait3A_130 : memref<128xi32, #tpu.memory_space<hbm>>)
      tpu.yield
    }) : () -> ()
    return
  }
}

module attributes {stable_mosaic.version = 14 : i64} {
  func.func @_fused_body(%arg0: i32, %arg1: memref<512x4096xf32, #tpu.memory_space<vmem>>, %arg2: memref<4096x16xf32, #tpu.memory_space<vmem>>, %arg3: memref<4096x1xi32, #tpu.memory_space<vmem>>, %arg4: memref<1024x1xi32, #tpu.memory_space<vmem>>, %arg5: memref<4096x1xi32, #tpu.memory_space<vmem>>, %arg6: memref<4096x16xf32, #tpu.memory_space<vmem>>, %arg7: memref<1x4096xf32, #tpu.memory_space<vmem>>, %arg8: memref<4096x40xbf16, #tpu.memory_space<vmem>>, %arg9: memref<4096x40xbf16, #tpu.memory_space<vmem>>, %arg10: memref<4096x1xi32, #tpu.memory_space<vmem>>, %arg11: memref<4096x1xi32, #tpu.memory_space<vmem>>) attributes {dimension_semantics = [#tpu.dimension_semantics<arbitrary>], iteration_bounds = array<i64: 14>, scalar_prefetch = 0 : i64, scratch_operands = 6 : i64, tpu.core_type = #tpu.core_type<tc>, window_params = [{transform_indices = @transform_0, window_bounds = array<i64: 512, 4096>}, {pipeline_mode = #tpu.pipeline_mode<synchronous>, transform_indices = @transform_1, window_bounds = array<i64: 4096, 16>}, {pipeline_mode = #tpu.pipeline_mode<synchronous>, transform_indices = @transform_2, window_bounds = array<i64: 4096, 1>}, {transform_indices = @transform_3, window_bounds = array<i64: 1024, 1>}, {pipeline_mode = #tpu.pipeline_mode<synchronous>, transform_indices = @transform_4, window_bounds = array<i64: 4096, 1>}]} {
    %lt3A = arith.constant 8 : i32
    %lt3A_0 = arith.cmpi slt, %arg0, %lt3A : i32
    %convert_element_type3A = arith.extui %lt3A_0 : i1 to i32
    %cond3A = arith.constant 0 : i32
    %cond3A_1 = arith.cmpi ne, %convert_element_type3A, %cond3A : i32
    scf.if %cond3A_1 {
      %get3A = arith.constant 0 : index
      %get3A_16 = arith.constant 0 : index
      %get3A_17 = vector.load %arg1[%get3A, %get3A_16] : memref<512x4096xf32, #tpu.memory_space<vmem>>, vector<512x4096xf32>
      %get3A_18 = arith.constant 0 : index
      %get3A_19 = arith.constant 0 : index
      %get3A_20 = vector.load %arg2[%get3A_18, %get3A_19] : memref<4096x16xf32, #tpu.memory_space<vmem>>, vector<4096x16xf32>
      %dot_general3A = arith.constant dense<0.000000e+00> : vector<512x16xf32>
      %dot_general3A_21 = tpu.matmul %get3A_17, %get3A_20, %dot_general3A {dimension_numbers = #tpu.dot_dimension_numbers<[1], [0], [0], [1], [0, 0, 1, 1], [], []>, transpose_lhs_hint = false} : vector<512x4096xf32>, vector<4096x16xf32>, vector<512x16xf32> -> vector<512x16xf32>
      %mul3A = arith.constant 512 : i32
      %mul3A_22 = arith.muli %arg0, %mul3A : i32
      %swap3A = arith.index_cast %mul3A_22 : i32 to index
      %swap3A_23 = arith.constant 0 : index
      %swap3A_24 = vector.load %arg6[%swap3A, %swap3A_23] : memref<4096x16xf32, #tpu.memory_space<vmem>>, vector<512x16xf32>
      tpu.vector_store %arg6[%swap3A, %swap3A_23], %dot_general3A_21 {strides = array<i32>} : memref<4096x16xf32, #tpu.memory_space<vmem>>, vector<512x16xf32>,
      %reduce_sum3A = arith.constant dense<0.000000e+00> : vector<4096xf32>
      %reduce_sum3A_25 = vector.multi_reduction <add>, %get3A_17, %reduce_sum3A [0] : vector<512x4096xf32> to vector<4096xf32>
      %broadcast_in_dim3A = vector.shape_cast %reduce_sum3A_25 : vector<4096xf32> to vector<1x4096xf32>
      %eq3A_26 = arith.constant 0 : i32
      %eq3A_27 = arith.cmpi eq, %arg0, %eq3A_26 : i32
      %convert_element_type3A_28 = arith.extui %eq3A_27 : i1 to i32
      %cond3A_29 = arith.constant 0 : i32
      %cond3A_30 = arith.cmpi ne, %convert_element_type3A_28, %cond3A_29 : i32
      scf.if %cond3A_30 {
        %swap3A_35 = arith.constant 0 : index
        %swap3A_36 = arith.constant 0 : index
        %swap3A_37 = vector.load %arg7[%swap3A_35, %swap3A_36] : memref<1x4096xf32, #tpu.memory_space<vmem>>, vector<1x4096xf32>
        tpu.vector_store %arg7[%swap3A_35, %swap3A_36], %broadcast_in_dim3A {strides = array<i32>} : memref<1x4096xf32, #tpu.memory_space<vmem>>, vector<1x4096xf32>,
      } else {
      }
      %ne3A = arith.constant 0 : i32
      %ne3A_31 = arith.cmpi ne, %arg0, %ne3A : i32
      %convert_element_type3A_32 = arith.extui %ne3A_31 : i1 to i32
      %cond3A_33 = arith.constant 0 : i32
      %cond3A_34 = arith.cmpi ne, %convert_element_type3A_32, %cond3A_33 : i32
      scf.if %cond3A_34 {
        %get3A_35 = arith.constant 0 : index
        %get3A_36 = arith.constant 0 : index
        %get3A_37 = vector.load %arg7[%get3A_35, %get3A_36] : memref<1x4096xf32, #tpu.memory_space<vmem>>, vector<1x4096xf32>
        %add3A = arith.addf %get3A_37, %broadcast_in_dim3A : vector<1x4096xf32>
        %swap3A_38 = arith.constant 0 : index
        %swap3A_39 = arith.constant 0 : index
        %swap3A_40 = vector.load %arg7[%swap3A_38, %swap3A_39] : memref<1x4096xf32, #tpu.memory_space<vmem>>, vector<1x4096xf32>
        tpu.vector_store %arg7[%swap3A_38, %swap3A_39], %add3A {strides = array<i32>} : memref<1x4096xf32, #tpu.memory_space<vmem>>, vector<1x4096xf32>,
      } else {
      }
    } else {
    }
    %eq3A = arith.constant 8 : i32
    %eq3A_2 = arith.cmpi eq, %arg0, %eq3A : i32
    %convert_element_type3A_3 = arith.extui %eq3A_2 : i1 to i32
    %cond3A_4 = arith.constant 0 : i32
    %cond3A_5 = arith.cmpi ne, %convert_element_type3A_3, %cond3A_4 : i32
    scf.if %cond3A_5 {
      %iota3A = tpu.iota {dimensions = array<i32: 0>} : vector<512x512xi32>
      %iota3A_16 = tpu.iota {dimensions = array<i32: 1>} : vector<512x512xi32>
      %eq3A_17 = arith.cmpi eq, %iota3A, %iota3A_16 : vector<512x512xi32>
      %convert_element_type3A_18 = arith.extui %eq3A_17 : vector<512x512xi1> to vector<512x512xi32>
      %convert_element_type3A_19 = arith.sitofp %convert_element_type3A_18 : vector<512x512xi32> to vector<512x512xf32>
      %get3A = arith.constant 0 : index
      %get3A_20 = arith.constant 0 : index
      %get3A_21 = vector.load %arg7[%get3A, %get3A_20] : memref<1x4096xf32, #tpu.memory_space<vmem>>, vector<1x512xf32>
      %dot_general3A = arith.constant dense<0.000000e+00> : vector<512x1xf32>
      %dot_general3A_22 = tpu.matmul %convert_element_type3A_19, %get3A_21, %dot_general3A {dimension_numbers = #tpu.dot_dimension_numbers<[1], [1], [0], [0], [0, 0, 1, 0], [], []>, transpose_lhs_hint = false} : vector<512x512xf32>, vector<1x512xf32>, vector<512x1xf32> -> vector<512x1xf32>
      %get3A_23 = arith.constant 0 : index
      %get3A_24 = arith.constant 512 : index
      %get3A_25 = vector.load %arg7[%get3A_23, %get3A_24] : memref<1x4096xf32, #tpu.memory_space<vmem>>, vector<1x512xf32>
      %dot_general3A_26 = arith.constant dense<0.000000e+00> : vector<512x1xf32>
      %dot_general3A_27 = tpu.matmul %convert_element_type3A_19, %get3A_25, %dot_general3A_26 {dimension_numbers = #tpu.dot_dimension_numbers<[1], [1], [0], [0], [0, 0, 1, 0], [], []>, transpose_lhs_hint = false} : vector<512x512xf32>, vector<1x512xf32>, vector<512x1xf32> -> vector<512x1xf32>
      %get3A_28 = arith.constant 0 : index
      %get3A_29 = arith.constant 1024 : index
      %get3A_30 = vector.load %arg7[%get3A_28, %get3A_29] : memref<1x4096xf32, #tpu.memory_space<vmem>>, vector<1x512xf32>
      %dot_general3A_31 = arith.constant dense<0.000000e+00> : vector<512x1xf32>
      %dot_general3A_32 = tpu.matmul %convert_element_type3A_19, %get3A_30, %dot_general3A_31 {dimension_numbers = #tpu.dot_dimension_numbers<[1], [1], [0], [0], [0, 0, 1, 0], [], []>, transpose_lhs_hint = false} : vector<512x512xf32>, vector<1x512xf32>, vector<512x1xf32> -> vector<512x1xf32>
      %get3A_33 = arith.constant 0 : index
      %get3A_34 = arith.constant 1536 : index
      %get3A_35 = vector.load %arg7[%get3A_33, %get3A_34] : memref<1x4096xf32, #tpu.memory_space<vmem>>, vector<1x512xf32>
      %dot_general3A_36 = arith.constant dense<0.000000e+00> : vector<512x1xf32>
      %dot_general3A_37 = tpu.matmul %convert_element_type3A_19, %get3A_35, %dot_general3A_36 {dimension_numbers = #tpu.dot_dimension_numbers<[1], [1], [0], [0], [0, 0, 1, 0], [], []>, transpose_lhs_hint = false} : vector<512x512xf32>, vector<1x512xf32>, vector<512x1xf32> -> vector<512x1xf32>
      %get3A_38 = arith.constant 0 : index
      %get3A_39 = arith.constant 2048 : index
      %get3A_40 = vector.load %arg7[%get3A_38, %get3A_39] : memref<1x4096xf32, #tpu.memory_space<vmem>>, vector<1x512xf32>
      %dot_general3A_41 = arith.constant dense<0.000000e+00> : vector<512x1xf32>
      %dot_general3A_42 = tpu.matmul %convert_element_type3A_19, %get3A_40, %dot_general3A_41 {dimension_numbers = #tpu.dot_dimension_numbers<[1], [1], [0], [0], [0, 0, 1, 0], [], []>, transpose_lhs_hint = false} : vector<512x512xf32>, vector<1x512xf32>, vector<512x1xf32> -> vector<512x1xf32>
      %get3A_43 = arith.constant 0 : index
      %get3A_44 = arith.constant 2560 : index
      %get3A_45 = vector.load %arg7[%get3A_43, %get3A_44] : memref<1x4096xf32, #tpu.memory_space<vmem>>, vector<1x512xf32>
      %dot_general3A_46 = arith.constant dense<0.000000e+00> : vector<512x1xf32>
      %dot_general3A_47 = tpu.matmul %convert_element_type3A_19, %get3A_45, %dot_general3A_46 {dimension_numbers = #tpu.dot_dimension_numbers<[1], [1], [0], [0], [0, 0, 1, 0], [], []>, transpose_lhs_hint = false} : vector<512x512xf32>, vector<1x512xf32>, vector<512x1xf32> -> vector<512x1xf32>
      %get3A_48 = arith.constant 0 : index
      %get3A_49 = arith.constant 3072 : index
      %get3A_50 = vector.load %arg7[%get3A_48, %get3A_49] : memref<1x4096xf32, #tpu.memory_space<vmem>>, vector<1x512xf32>
      %dot_general3A_51 = arith.constant dense<0.000000e+00> : vector<512x1xf32>
      %dot_general3A_52 = tpu.matmul %convert_element_type3A_19, %get3A_50, %dot_general3A_51 {dimension_numbers = #tpu.dot_dimension_numbers<[1], [1], [0], [0], [0, 0, 1, 0], [], []>, transpose_lhs_hint = false} : vector<512x512xf32>, vector<1x512xf32>, vector<512x1xf32> -> vector<512x1xf32>
      %get3A_53 = arith.constant 0 : index
      %get3A_54 = arith.constant 3584 : index
      %get3A_55 = vector.load %arg7[%get3A_53, %get3A_54] : memref<1x4096xf32, #tpu.memory_space<vmem>>, vector<1x512xf32>
      %dot_general3A_56 = arith.constant dense<0.000000e+00> : vector<512x1xf32>
      %dot_general3A_57 = tpu.matmul %convert_element_type3A_19, %get3A_55, %dot_general3A_56 {dimension_numbers = #tpu.dot_dimension_numbers<[1], [1], [0], [0], [0, 0, 1, 0], [], []>, transpose_lhs_hint = false} : vector<512x512xf32>, vector<1x512xf32>, vector<512x1xf32> -> vector<512x1xf32>
      %concatenate3A = tpu.concatenate %dot_general3A_22, %dot_general3A_27, %dot_general3A_32, %dot_general3A_37, %dot_general3A_42, %dot_general3A_47, %dot_general3A_52, %dot_general3A_57 in 0 : vector<512x1xf32>, vector<512x1xf32>, vector<512x1xf32>, vector<512x1xf32>, vector<512x1xf32>, vector<512x1xf32>, vector<512x1xf32>, vector<512x1xf32> -> vector<4096x1xf32>
      %get3A_58 = arith.constant 0 : index
      %get3A_59 = arith.constant 0 : index
      %get3A_60 = vector.load %arg6[%get3A_58, %get3A_59] : memref<4096x16xf32, #tpu.memory_space<vmem>>, vector<4096x16xf32>
      %reduce_sum3A = arith.constant dense<0.000000e+00> : vector<4096xf32>
      %reduce_sum3A_61 = vector.multi_reduction <add>, %get3A_60, %reduce_sum3A [1] : vector<4096x16xf32> to vector<4096xf32>
      %broadcast_in_dim3A = vector.shape_cast %reduce_sum3A_61 : vector<4096xf32> to vector<4096x1xf32>
      %add3A = arith.addf %broadcast_in_dim3A, %concatenate3A : vector<4096x1xf32>
      %eq3A_62 = arith.constant 0.000000e+00 : f32
      %eq3A_63 = vector.broadcast %eq3A_62 : f32 to vector<4096x1xf32>
      %eq3A_64 = arith.cmpf oeq, %add3A, %eq3A_63 : vector<4096x1xf32>
      %convert_element_type3A_65 = arith.extui %eq3A_64 : vector<4096x1xi1> to vector<4096x1xi32>
      %convert_element_type3A_66 = arith.sitofp %convert_element_type3A_65 : vector<4096x1xi32> to vector<4096x1xf32>
      %iota3A_67 = tpu.iota {dimensions = array<i32: 1>} : vector<4096x16xi32>
      %convert_element_type3A_68 = arith.sitofp %iota3A_67 : vector<4096x16xi32> to vector<4096x16xf32>
      %get3A_69 = arith.constant 0 : index
      %get3A_70 = arith.constant 0 : index
      %get3A_71 = vector.load %arg2[%get3A_69, %get3A_70] : memref<4096x16xf32, #tpu.memory_space<vmem>>, vector<4096x16xf32>
      %mul3A = arith.mulf %get3A_71, %convert_element_type3A_68 : vector<4096x16xf32>
      %reduce_sum3A_72 = arith.constant dense<0.000000e+00> : vector<4096xf32>
      %reduce_sum3A_73 = vector.multi_reduction <add>, %mul3A, %reduce_sum3A_72 [1] : vector<4096x16xf32> to vector<4096xf32>
      %broadcast_in_dim3A_74 = vector.shape_cast %reduce_sum3A_73 : vector<4096xf32> to vector<4096x1xf32>
      %convert_element_type3A_75 = arith.fptosi %get3A_60 : vector<4096x16xf32> to vector<4096x16xi32>
      %shift_right_arithmetic3A = arith.constant 6 : i32
      %shift_right_arithmetic3A_76 = vector.broadcast %shift_right_arithmetic3A : i32 to vector<4096x16xi32>
      %shift_right_arithmetic3A_77 = arith.shrsi %convert_element_type3A_75, %shift_right_arithmetic3A_76 : vector<4096x16xi32>
      %convert_element_type3A_78 = arith.sitofp %shift_right_arithmetic3A_77 : vector<4096x16xi32> to vector<4096x16xf32>
      %and3A_79 = arith.constant 63 : i32
      %and3A_80 = vector.broadcast %and3A_79 : i32 to vector<4096x16xi32>
      %and3A_81 = arith.andi %convert_element_type3A_75, %and3A_80 : vector<4096x16xi32>
      %convert_element_type3A_82 = arith.sitofp %and3A_81 : vector<4096x16xi32> to vector<4096x16xf32>
      %mul3A_83 = arith.mulf %broadcast_in_dim3A_74, %broadcast_in_dim3A_74 : vector<4096x1xf32>
      %add3A_84 = arith.addf %convert_element_type3A_66, %mul3A_83 : vector<4096x1xf32>
      %mul3A_85 = arith.mulf %convert_element_type3A_78, %convert_element_type3A_78 : vector<4096x16xf32>
      %mul3A_86 = arith.mulf %convert_element_type3A_82, %convert_element_type3A_82 : vector<4096x16xf32>
      %add3A_87 = arith.addf %mul3A_85, %mul3A_86 : vector<4096x16xf32>
      %reduce_sum3A_88 = arith.constant dense<0.000000e+00> : vector<4096xf32>
      %reduce_sum3A_89 = vector.multi_reduction <add>, %add3A_87, %reduce_sum3A_88 [1] : vector<4096x16xf32> to vector<4096xf32>
      %broadcast_in_dim3A_90 = vector.shape_cast %reduce_sum3A_89 : vector<4096xf32> to vector<4096x1xf32>
      %add3A_91 = arith.addf %add3A_84, %broadcast_in_dim3A_90 : vector<4096x1xf32>
      %mul3A_92 = arith.constant 2.44140625E-4 : f32
      %mul3A_93 = vector.broadcast %mul3A_92 : f32 to vector<4096x1xf32>
      %mul3A_94 = arith.mulf %add3A_91, %mul3A_93 : vector<4096x1xf32>
      %floor3A = math.floor %mul3A_94 : vector<4096x1xf32>
      %mul3A_95 = arith.constant 4.096000e+03 : f32
      %mul3A_96 = vector.broadcast %mul3A_95 : f32 to vector<4096x1xf32>
      %mul3A_97 = arith.mulf %floor3A, %mul3A_96 : vector<4096x1xf32>
      %sub3A = arith.subf %add3A_91, %mul3A_97 : vector<4096x1xf32>
      %mul3A_98 = arith.constant 1.562500e-02 : f32
      %mul3A_99 = vector.broadcast %mul3A_98 : f32 to vector<4096x1xf32>
      %mul3A_100 = arith.mulf %sub3A, %mul3A_99 : vector<4096x1xf32>
      %floor3A_101 = math.floor %mul3A_100 : vector<4096x1xf32>
      %mul3A_102 = arith.constant 6.400000e+01 : f32
      %mul3A_103 = vector.broadcast %mul3A_102 : f32 to vector<4096x1xf32>
      %mul3A_104 = arith.mulf %floor3A_101, %mul3A_103 : vector<4096x1xf32>
      %sub3A_105 = arith.subf %sub3A, %mul3A_104 : vector<4096x1xf32>
      %broadcast_in_dim3A_106 = arith.constant 1.000000e+00 : f32
      %broadcast_in_dim3A_107 = vector.broadcast %broadcast_in_dim3A_106 : f32 to vector<4096x3xf32>
      %mul3A_108 = arith.constant 2.000000e+00 : f32
      %mul3A_109 = vector.broadcast %mul3A_108 : f32 to vector<4096x1xf32>
      %mul3A_110 = arith.mulf %mul3A_109, %convert_element_type3A_66 : vector<4096x1xf32>
      %mul3A_111 = arith.constant 2.000000e+00 : f32
      %mul3A_112 = vector.broadcast %mul3A_111 : f32 to vector<4096x1xf32>
      %mul3A_113 = arith.mulf %mul3A_112, %broadcast_in_dim3A_74 : vector<4096x1xf32>
      %mul3A_114 = arith.constant 2.000000e+00 : f32
      %mul3A_115 = vector.broadcast %mul3A_114 : f32 to vector<4096x16xf32>
      %mul3A_116 = arith.mulf %mul3A_115, %convert_element_type3A_78 : vector<4096x16xf32>
      %mul3A_117 = arith.constant 2.000000e+00 : f32
      %mul3A_118 = vector.broadcast %mul3A_117 : f32 to vector<4096x16xf32>
      %mul3A_119 = arith.mulf %mul3A_118, %convert_element_type3A_82 : vector<4096x16xf32>
      %neg3A = arith.constant 0.000000e+00 : f32
      %neg3A_120 = vector.broadcast %neg3A : f32 to vector<4096x1xf32>
      %neg3A_121 = arith.subf %neg3A_120, %sub3A_105 : vector<4096x1xf32>
      %neg3A_122 = arith.constant 0.000000e+00 : f32
      %neg3A_123 = vector.broadcast %neg3A_122 : f32 to vector<4096x1xf32>
      %neg3A_124 = arith.subf %neg3A_123, %mul3A_104 : vector<4096x1xf32>
      %neg3A_125 = arith.constant 0.000000e+00 : f32
      %neg3A_126 = vector.broadcast %neg3A_125 : f32 to vector<4096x1xf32>
      %neg3A_127 = arith.subf %neg3A_126, %mul3A_97 : vector<4096x1xf32>
      %concatenate3A_128 = tpu.concatenate %mul3A_110, %mul3A_113, %mul3A_116, %mul3A_119, %neg3A_121, %neg3A_124, %neg3A_127, %broadcast_in_dim3A_107 in 1 : vector<4096x1xf32>, vector<4096x1xf32>, vector<4096x16xf32>, vector<4096x16xf32>, vector<4096x1xf32>, vector<4096x1xf32>, vector<4096x1xf32>, vector<4096x3xf32> -> vector<4096x40xf32>
      %neg3A_129 = arith.constant 0.000000e+00 : f32
      %neg3A_130 = vector.broadcast %neg3A_129 : f32 to vector<4096x1xf32>
      %neg3A_131 = arith.subf %neg3A_130, %sub3A_105 : vector<4096x1xf32>
      %neg3A_132 = arith.constant 0.000000e+00 : f32
      %neg3A_133 = vector.broadcast %neg3A_132 : f32 to vector<4096x1xf32>
      %neg3A_134 = arith.subf %neg3A_133, %mul3A_104 : vector<4096x1xf32>
      %neg3A_135 = arith.constant 0.000000e+00 : f32
      %neg3A_136 = vector.broadcast %neg3A_135 : f32 to vector<4096x1xf32>
      %neg3A_137 = arith.subf %neg3A_136, %mul3A_97 : vector<4096x1xf32>
      %concatenate3A_138 = tpu.concatenate %convert_element_type3A_66, %broadcast_in_dim3A_74, %convert_element_type3A_78, %convert_element_type3A_82, %broadcast_in_dim3A_107, %neg3A_131, %neg3A_134, %neg3A_137 in 1 : vector<4096x1xf32>, vector<4096x1xf32>, vector<4096x16xf32>, vector<4096x16xf32>, vector<4096x3xf32>, vector<4096x1xf32>, vector<4096x1xf32>, vector<4096x1xf32> -> vector<4096x40xf32>
      %convert_element_type3A_139 = arith.truncf %concatenate3A_128 : vector<4096x40xf32> to vector<4096x40xbf16>
      %swap3A = arith.constant 0 : index
      %swap3A_140 = arith.constant 0 : index
      %swap3A_141 = vector.load %arg8[%swap3A, %swap3A_140] : memref<4096x40xbf16, #tpu.memory_space<vmem>>, vector<4096x40xbf16>
      tpu.vector_store %arg8[%swap3A, %swap3A_140], %convert_element_type3A_139 {strides = array<i32>} : memref<4096x40xbf16, #tpu.memory_space<vmem>>, vector<4096x40xbf16>,
      %convert_element_type3A_142 = arith.truncf %concatenate3A_138 : vector<4096x40xf32> to vector<4096x40xbf16>
      %swap3A_143 = arith.constant 0 : index
      %swap3A_144 = arith.constant 0 : index
      %swap3A_145 = vector.load %arg9[%swap3A_143, %swap3A_144] : memref<4096x40xbf16, #tpu.memory_space<vmem>>, vector<4096x40xbf16>
      tpu.vector_store %arg9[%swap3A_143, %swap3A_144], %convert_element_type3A_142 {strides = array<i32>} : memref<4096x40xbf16, #tpu.memory_space<vmem>>, vector<4096x40xbf16>,
      %convert_element_type3A_146 = arith.extui %eq3A_64 : vector<4096x1xi1> to vector<4096x1xi32>
      %swap3A_147 = arith.constant 0 : index
      %swap3A_148 = arith.constant 0 : index
      %swap3A_149 = vector.load %arg3[%swap3A_147, %swap3A_148] : memref<4096x1xi32, #tpu.memory_space<vmem>>, vector<4096x1xi32>
      tpu.vector_store %arg3[%swap3A_147, %swap3A_148], %convert_element_type3A_146 {strides = array<i32>} : memref<4096x1xi32, #tpu.memory_space<vmem>>, vector<4096x1xi32>,
      %convert_element_type3A_150 = arith.extui %eq3A_64 : vector<4096x1xi1> to vector<4096x1xi32>
      %swap3A_151 = arith.constant 0 : index
      %swap3A_152 = arith.constant 0 : index
      %swap3A_153 = vector.load %arg11[%swap3A_151, %swap3A_152] : memref<4096x1xi32, #tpu.memory_space<vmem>>, vector<4096x1xi32>
      tpu.vector_store %arg11[%swap3A_151, %swap3A_152], %convert_element_type3A_150 {strides = array<i32>} : memref<4096x1xi32, #tpu.memory_space<vmem>>, vector<4096x1xi32>,
    } else {
    }
    %gt3A = arith.constant 8 : i32
    %gt3A_6 = arith.cmpi sgt, %arg0, %gt3A : i32
    %le3A = arith.constant 12 : i32
    %le3A_7 = arith.cmpi sle, %arg0, %le3A : i32
    %and3A = arith.andi %gt3A_6, %le3A_7 : i1
    %convert_element_type3A_8 = arith.extui %and3A : i1 to i32
    %cond3A_9 = arith.constant 0 : i32
    %cond3A_10 = arith.cmpi ne, %convert_element_type3A_8, %cond3A_9 : i32
    scf.if %cond3A_10 {
      %sub3A = arith.constant 8 : i32
      %sub3A_16 = arith.subi %arg0, %sub3A : i32
      %sub3A_17 = arith.constant 1 : i32
      %sub3A_18 = arith.subi %sub3A_16, %sub3A_17 : i32
      %mul3A = arith.constant 1024 : i32
      %mul3A_19 = arith.muli %sub3A_18, %mul3A : i32
      %get3A = arith.index_cast %mul3A_19 : i32 to index
      %get3A_20 = arith.constant 0 : index
      %get3A_21 = vector.load %arg8[%get3A, %get3A_20] : memref<4096x40xbf16, #tpu.memory_space<vmem>>, vector<1024x40xbf16>
      %get3A_22 = arith.constant 0 : index
      %get3A_23 = arith.constant 0 : index
      %get3A_24 = vector.load %arg9[%get3A_22, %get3A_23] : memref<4096x40xbf16, #tpu.memory_space<vmem>>, vector<512x40xbf16>
      %dot_general3A = arith.constant dense<0.000000e+00> : vector<1024x512xf32>
      %dot_general3A_25 = tpu.matmul %get3A_21, %get3A_24, %dot_general3A {dimension_numbers = #tpu.dot_dimension_numbers<[1], [1], [0], [0], [0, 0, 1, 0], [], []>, transpose_lhs_hint = false} : vector<1024x40xbf16>, vector<512x40xbf16>, vector<1024x512xf32> -> vector<1024x512xf32>
      %iota3A = tpu.iota {dimensions = array<i32: 1>} : vector<1024x512xi32>
      %add3A = arith.constant 0 : i32
      %add3A_26 = vector.broadcast %add3A : i32 to vector<1024x512xi32>
      %add3A_27 = arith.addi %iota3A, %add3A_26 : vector<1024x512xi32>
      %eq3A_28 = arith.constant 0.000000e+00 : f32
      %eq3A_29 = vector.broadcast %eq3A_28 : f32 to vector<1024x512xf32>
      %eq3A_30 = arith.cmpf oeq, %dot_general3A_25, %eq3A_29 : vector<1024x512xf32>
      %jit3A = arith.constant 4096 : i32
      %broadcast_in_dim3A = vector.broadcast %jit3A : i32 to vector<1024x512xi32>
      %select_n3A = arith.select %eq3A_30, %add3A_27, %broadcast_in_dim3A : vector<1024x512xi1>, vector<1024x512xi32>
      %reduce_min3A = arith.constant dense<2147483647> : vector<1024xi32>
      %reduce_min3A_31 = vector.multi_reduction <minsi>, %select_n3A, %reduce_min3A [1] : vector<1024x512xi32> to vector<1024xi32>
      %broadcast_in_dim3A_32 = vector.shape_cast %reduce_min3A_31 : vector<1024xi32> to vector<1024x1xi32>
      %swap3A = arith.constant 0 : index
      %swap3A_33 = arith.constant 0 : index
      %swap3A_34 = vector.load %arg4[%swap3A, %swap3A_33] : memref<1024x1xi32, #tpu.memory_space<vmem>>, vector<1024x1xi32>
      tpu.vector_store %arg4[%swap3A, %swap3A_33], %broadcast_in_dim3A_32 {strides = array<i32>} : memref<1024x1xi32, #tpu.memory_space<vmem>>, vector<1024x1xi32>,
      %add3A_35 = arith.constant 1 : i32
      %add3A_36 = arith.addi %sub3A_18, %add3A_35 : i32
      %mul3A_37 = arith.constant 1024 : i32
      %mul3A_38 = arith.muli %add3A_36, %mul3A_37 : i32
      %gt3A_39 = arith.constant 512 : i32
      %gt3A_40 = arith.cmpi sgt, %mul3A_38, %gt3A_39 : i32
      %convert_element_type3A_41 = arith.extui %gt3A_40 : i1 to i32
      %cond3A_42 = arith.constant 0 : i32
      %cond3A_43 = arith.cmpi ne, %convert_element_type3A_41, %cond3A_42 : i32
      scf.if %cond3A_43 {
        %get3A_106 = arith.constant 0 : index
        %get3A_107 = arith.constant 0 : index
        %get3A_108 = vector.load %arg4[%get3A_106, %get3A_107] : memref<1024x1xi32, #tpu.memory_space<vmem>>, vector<1024x1xi32>
        %get3A_109 = arith.constant 512 : index
        %get3A_110 = arith.constant 0 : index
        %get3A_111 = vector.load %arg9[%get3A_109, %get3A_110] : memref<4096x40xbf16, #tpu.memory_space<vmem>>, vector<512x40xbf16>
        %dot_general3A_112 = arith.constant dense<0.000000e+00> : vector<1024x512xf32>
        %dot_general3A_113 = tpu.matmul %get3A_21, %get3A_111, %dot_general3A_112 {dimension_numbers = #tpu.dot_dimension_numbers<[1], [1], [0], [0], [0, 0, 1, 0], [], []>, transpose_lhs_hint = false} : vector<1024x40xbf16>, vector<512x40xbf16>, vector<1024x512xf32> -> vector<1024x512xf32>
        %iota3A_114 = tpu.iota {dimensions = array<i32: 1>} : vector<1024x512xi32>
        %add3A_115 = arith.constant 512 : i32
        %add3A_116 = vector.broadcast %add3A_115 : i32 to vector<1024x512xi32>
        %add3A_117 = arith.addi %iota3A_114, %add3A_116 : vector<1024x512xi32>
        %eq3A_118 = arith.constant 0.000000e+00 : f32
        %eq3A_119 = vector.broadcast %eq3A_118 : f32 to vector<1024x512xf32>
        %eq3A_120 = arith.cmpf oeq, %dot_general3A_113, %eq3A_119 : vector<1024x512xf32>
        %jit3A_121 = arith.constant 4096 : i32
        %broadcast_in_dim3A_122 = vector.broadcast %jit3A_121 : i32 to vector<1024x512xi32>
        %select_n3A_123 = arith.select %eq3A_120, %add3A_117, %broadcast_in_dim3A_122 : vector<1024x512xi1>, vector<1024x512xi32>
        %reduce_min3A_124 = arith.constant dense<2147483647> : vector<1024xi32>
        %reduce_min3A_125 = vector.multi_reduction <minsi>, %select_n3A_123, %reduce_min3A_124 [1] : vector<1024x512xi32> to vector<1024xi32>
        %broadcast_in_dim3A_126 = vector.shape_cast %reduce_min3A_125 : vector<1024xi32> to vector<1024x1xi32>
        %min3A = arith.minsi %get3A_108, %broadcast_in_dim3A_126 : vector<1024x1xi32>
        %swap3A_127 = arith.constant 0 : index
        %swap3A_128 = arith.constant 0 : index
        %swap3A_129 = vector.load %arg4[%swap3A_127, %swap3A_128] : memref<1024x1xi32, #tpu.memory_space<vmem>>, vector<1024x1xi32>
        tpu.vector_store %arg4[%swap3A_127, %swap3A_128], %min3A {strides = array<i32>} : memref<1024x1xi32, #tpu.memory_space<vmem>>, vector<1024x1xi32>,
      } else {
      }
      %add3A_44 = arith.constant 1 : i32
      %add3A_45 = arith.addi %sub3A_18, %add3A_44 : i32
      %mul3A_46 = arith.constant 1024 : i32
      %mul3A_47 = arith.muli %add3A_45, %mul3A_46 : i32
      %gt3A_48 = arith.constant 1024 : i32
      %gt3A_49 = arith.cmpi sgt, %mul3A_47, %gt3A_48 : i32
      %convert_element_type3A_50 = arith.extui %gt3A_49 : i1 to i32
      %cond3A_51 = arith.constant 0 : i32
      %cond3A_52 = arith.cmpi ne, %convert_element_type3A_50, %cond3A_51 : i32
      scf.if %cond3A_52 {
        %get3A_106 = arith.constant 0 : index
        %get3A_107 = arith.constant 0 : index
        %get3A_108 = vector.load %arg4[%get3A_106, %get3A_107] : memref<1024x1xi32, #tpu.memory_space<vmem>>, vector<1024x1xi32>
        %get3A_109 = arith.constant 1024 : index
        %get3A_110 = arith.constant 0 : index
        %get3A_111 = vector.load %arg9[%get3A_109, %get3A_110] : memref<4096x40xbf16, #tpu.memory_space<vmem>>, vector<512x40xbf16>
        %dot_general3A_112 = arith.constant dense<0.000000e+00> : vector<1024x512xf32>
        %dot_general3A_113 = tpu.matmul %get3A_21, %get3A_111, %dot_general3A_112 {dimension_numbers = #tpu.dot_dimension_numbers<[1], [1], [0], [0], [0, 0, 1, 0], [], []>, transpose_lhs_hint = false} : vector<1024x40xbf16>, vector<512x40xbf16>, vector<1024x512xf32> -> vector<1024x512xf32>
        %iota3A_114 = tpu.iota {dimensions = array<i32: 1>} : vector<1024x512xi32>
        %add3A_115 = arith.constant 1024 : i32
        %add3A_116 = vector.broadcast %add3A_115 : i32 to vector<1024x512xi32>
        %add3A_117 = arith.addi %iota3A_114, %add3A_116 : vector<1024x512xi32>
        %eq3A_118 = arith.constant 0.000000e+00 : f32
        %eq3A_119 = vector.broadcast %eq3A_118 : f32 to vector<1024x512xf32>
        %eq3A_120 = arith.cmpf oeq, %dot_general3A_113, %eq3A_119 : vector<1024x512xf32>
        %jit3A_121 = arith.constant 4096 : i32
        %broadcast_in_dim3A_122 = vector.broadcast %jit3A_121 : i32 to vector<1024x512xi32>
        %select_n3A_123 = arith.select %eq3A_120, %add3A_117, %broadcast_in_dim3A_122 : vector<1024x512xi1>, vector<1024x512xi32>
        %reduce_min3A_124 = arith.constant dense<2147483647> : vector<1024xi32>
        %reduce_min3A_125 = vector.multi_reduction <minsi>, %select_n3A_123, %reduce_min3A_124 [1] : vector<1024x512xi32> to vector<1024xi32>
        %broadcast_in_dim3A_126 = vector.shape_cast %reduce_min3A_125 : vector<1024xi32> to vector<1024x1xi32>
        %min3A = arith.minsi %get3A_108, %broadcast_in_dim3A_126 : vector<1024x1xi32>
        %swap3A_127 = arith.constant 0 : index
        %swap3A_128 = arith.constant 0 : index
        %swap3A_129 = vector.load %arg4[%swap3A_127, %swap3A_128] : memref<1024x1xi32, #tpu.memory_space<vmem>>, vector<1024x1xi32>
        tpu.vector_store %arg4[%swap3A_127, %swap3A_128], %min3A {strides = array<i32>} : memref<1024x1xi32, #tpu.memory_space<vmem>>, vector<1024x1xi32>,
      } else {
      }
      %add3A_53 = arith.constant 1 : i32
      %add3A_54 = arith.addi %sub3A_18, %add3A_53 : i32
      %mul3A_55 = arith.constant 1024 : i32
      %mul3A_56 = arith.muli %add3A_54, %mul3A_55 : i32
      %gt3A_57 = arith.constant 1536 : i32
      %gt3A_58 = arith.cmpi sgt, %mul3A_56, %gt3A_57 : i32
      %convert_element_type3A_59 = arith.extui %gt3A_58 : i1 to i32
      %cond3A_60 = arith.constant 0 : i32
      %cond3A_61 = arith.cmpi ne, %convert_element_type3A_59, %cond3A_60 : i32
      scf.if %cond3A_61 {
        %get3A_106 = arith.constant 0 : index
        %get3A_107 = arith.constant 0 : index
        %get3A_108 = vector.load %arg4[%get3A_106, %get3A_107] : memref<1024x1xi32, #tpu.memory_space<vmem>>, vector<1024x1xi32>
        %get3A_109 = arith.constant 1536 : index
        %get3A_110 = arith.constant 0 : index
        %get3A_111 = vector.load %arg9[%get3A_109, %get3A_110] : memref<4096x40xbf16, #tpu.memory_space<vmem>>, vector<512x40xbf16>
        %dot_general3A_112 = arith.constant dense<0.000000e+00> : vector<1024x512xf32>
        %dot_general3A_113 = tpu.matmul %get3A_21, %get3A_111, %dot_general3A_112 {dimension_numbers = #tpu.dot_dimension_numbers<[1], [1], [0], [0], [0, 0, 1, 0], [], []>, transpose_lhs_hint = false} : vector<1024x40xbf16>, vector<512x40xbf16>, vector<1024x512xf32> -> vector<1024x512xf32>
        %iota3A_114 = tpu.iota {dimensions = array<i32: 1>} : vector<1024x512xi32>
        %add3A_115 = arith.constant 1536 : i32
        %add3A_116 = vector.broadcast %add3A_115 : i32 to vector<1024x512xi32>
        %add3A_117 = arith.addi %iota3A_114, %add3A_116 : vector<1024x512xi32>
        %eq3A_118 = arith.constant 0.000000e+00 : f32
        %eq3A_119 = vector.broadcast %eq3A_118 : f32 to vector<1024x512xf32>
        %eq3A_120 = arith.cmpf oeq, %dot_general3A_113, %eq3A_119 : vector<1024x512xf32>
        %jit3A_121 = arith.constant 4096 : i32
        %broadcast_in_dim3A_122 = vector.broadcast %jit3A_121 : i32 to vector<1024x512xi32>
        %select_n3A_123 = arith.select %eq3A_120, %add3A_117, %broadcast_in_dim3A_122 : vector<1024x512xi1>, vector<1024x512xi32>
        %reduce_min3A_124 = arith.constant dense<2147483647> : vector<1024xi32>
        %reduce_min3A_125 = vector.multi_reduction <minsi>, %select_n3A_123, %reduce_min3A_124 [1] : vector<1024x512xi32> to vector<1024xi32>
        %broadcast_in_dim3A_126 = vector.shape_cast %reduce_min3A_125 : vector<1024xi32> to vector<1024x1xi32>
        %min3A = arith.minsi %get3A_108, %broadcast_in_dim3A_126 : vector<1024x1xi32>
        %swap3A_127 = arith.constant 0 : index
        %swap3A_128 = arith.constant 0 : index
        %swap3A_129 = vector.load %arg4[%swap3A_127, %swap3A_128] : memref<1024x1xi32, #tpu.memory_space<vmem>>, vector<1024x1xi32>
        tpu.vector_store %arg4[%swap3A_127, %swap3A_128], %min3A {strides = array<i32>} : memref<1024x1xi32, #tpu.memory_space<vmem>>, vector<1024x1xi32>,
      } else {
      }
      %add3A_62 = arith.constant 1 : i32
      %add3A_63 = arith.addi %sub3A_18, %add3A_62 : i32
      %mul3A_64 = arith.constant 1024 : i32
      %mul3A_65 = arith.muli %add3A_63, %mul3A_64 : i32
      %gt3A_66 = arith.constant 2048 : i32
      %gt3A_67 = arith.cmpi sgt, %mul3A_65, %gt3A_66 : i32
      %convert_element_type3A_68 = arith.extui %gt3A_67 : i1 to i32
      %cond3A_69 = arith.constant 0 : i32
      %cond3A_70 = arith.cmpi ne, %convert_element_type3A_68, %cond3A_69 : i32
      scf.if %cond3A_70 {
        %get3A_106 = arith.constant 0 : index
        %get3A_107 = arith.constant 0 : index
        %get3A_108 = vector.load %arg4[%get3A_106, %get3A_107] : memref<1024x1xi32, #tpu.memory_space<vmem>>, vector<1024x1xi32>
        %get3A_109 = arith.constant 2048 : index
        %get3A_110 = arith.constant 0 : index
        %get3A_111 = vector.load %arg9[%get3A_109, %get3A_110] : memref<4096x40xbf16, #tpu.memory_space<vmem>>, vector<512x40xbf16>
        %dot_general3A_112 = arith.constant dense<0.000000e+00> : vector<1024x512xf32>
        %dot_general3A_113 = tpu.matmul %get3A_21, %get3A_111, %dot_general3A_112 {dimension_numbers = #tpu.dot_dimension_numbers<[1], [1], [0], [0], [0, 0, 1, 0], [], []>, transpose_lhs_hint = false} : vector<1024x40xbf16>, vector<512x40xbf16>, vector<1024x512xf32> -> vector<1024x512xf32>
        %iota3A_114 = tpu.iota {dimensions = array<i32: 1>} : vector<1024x512xi32>
        %add3A_115 = arith.constant 2048 : i32
        %add3A_116 = vector.broadcast %add3A_115 : i32 to vector<1024x512xi32>
        %add3A_117 = arith.addi %iota3A_114, %add3A_116 : vector<1024x512xi32>
        %eq3A_118 = arith.constant 0.000000e+00 : f32
        %eq3A_119 = vector.broadcast %eq3A_118 : f32 to vector<1024x512xf32>
        %eq3A_120 = arith.cmpf oeq, %dot_general3A_113, %eq3A_119 : vector<1024x512xf32>
        %jit3A_121 = arith.constant 4096 : i32
        %broadcast_in_dim3A_122 = vector.broadcast %jit3A_121 : i32 to vector<1024x512xi32>
        %select_n3A_123 = arith.select %eq3A_120, %add3A_117, %broadcast_in_dim3A_122 : vector<1024x512xi1>, vector<1024x512xi32>
        %reduce_min3A_124 = arith.constant dense<2147483647> : vector<1024xi32>
        %reduce_min3A_125 = vector.multi_reduction <minsi>, %select_n3A_123, %reduce_min3A_124 [1] : vector<1024x512xi32> to vector<1024xi32>
        %broadcast_in_dim3A_126 = vector.shape_cast %reduce_min3A_125 : vector<1024xi32> to vector<1024x1xi32>
        %min3A = arith.minsi %get3A_108, %broadcast_in_dim3A_126 : vector<1024x1xi32>
        %swap3A_127 = arith.constant 0 : index
        %swap3A_128 = arith.constant 0 : index
        %swap3A_129 = vector.load %arg4[%swap3A_127, %swap3A_128] : memref<1024x1xi32, #tpu.memory_space<vmem>>, vector<1024x1xi32>
        tpu.vector_store %arg4[%swap3A_127, %swap3A_128], %min3A {strides = array<i32>} : memref<1024x1xi32, #tpu.memory_space<vmem>>, vector<1024x1xi32>,
      } else {
      }
      %add3A_71 = arith.constant 1 : i32
      %add3A_72 = arith.addi %sub3A_18, %add3A_71 : i32
      %mul3A_73 = arith.constant 1024 : i32
      %mul3A_74 = arith.muli %add3A_72, %mul3A_73 : i32
      %gt3A_75 = arith.constant 2560 : i32
      %gt3A_76 = arith.cmpi sgt, %mul3A_74, %gt3A_75 : i32
      %convert_element_type3A_77 = arith.extui %gt3A_76 : i1 to i32
      %cond3A_78 = arith.constant 0 : i32
      %cond3A_79 = arith.cmpi ne, %convert_element_type3A_77, %cond3A_78 : i32
      scf.if %cond3A_79 {
        %get3A_106 = arith.constant 0 : index
        %get3A_107 = arith.constant 0 : index
        %get3A_108 = vector.load %arg4[%get3A_106, %get3A_107] : memref<1024x1xi32, #tpu.memory_space<vmem>>, vector<1024x1xi32>
        %get3A_109 = arith.constant 2560 : index
        %get3A_110 = arith.constant 0 : index
        %get3A_111 = vector.load %arg9[%get3A_109, %get3A_110] : memref<4096x40xbf16, #tpu.memory_space<vmem>>, vector<512x40xbf16>
        %dot_general3A_112 = arith.constant dense<0.000000e+00> : vector<1024x512xf32>
        %dot_general3A_113 = tpu.matmul %get3A_21, %get3A_111, %dot_general3A_112 {dimension_numbers = #tpu.dot_dimension_numbers<[1], [1], [0], [0], [0, 0, 1, 0], [], []>, transpose_lhs_hint = false} : vector<1024x40xbf16>, vector<512x40xbf16>, vector<1024x512xf32> -> vector<1024x512xf32>
        %iota3A_114 = tpu.iota {dimensions = array<i32: 1>} : vector<1024x512xi32>
        %add3A_115 = arith.constant 2560 : i32
        %add3A_116 = vector.broadcast %add3A_115 : i32 to vector<1024x512xi32>
        %add3A_117 = arith.addi %iota3A_114, %add3A_116 : vector<1024x512xi32>
        %eq3A_118 = arith.constant 0.000000e+00 : f32
        %eq3A_119 = vector.broadcast %eq3A_118 : f32 to vector<1024x512xf32>
        %eq3A_120 = arith.cmpf oeq, %dot_general3A_113, %eq3A_119 : vector<1024x512xf32>
        %jit3A_121 = arith.constant 4096 : i32
        %broadcast_in_dim3A_122 = vector.broadcast %jit3A_121 : i32 to vector<1024x512xi32>
        %select_n3A_123 = arith.select %eq3A_120, %add3A_117, %broadcast_in_dim3A_122 : vector<1024x512xi1>, vector<1024x512xi32>
        %reduce_min3A_124 = arith.constant dense<2147483647> : vector<1024xi32>
        %reduce_min3A_125 = vector.multi_reduction <minsi>, %select_n3A_123, %reduce_min3A_124 [1] : vector<1024x512xi32> to vector<1024xi32>
        %broadcast_in_dim3A_126 = vector.shape_cast %reduce_min3A_125 : vector<1024xi32> to vector<1024x1xi32>
        %min3A = arith.minsi %get3A_108, %broadcast_in_dim3A_126 : vector<1024x1xi32>
        %swap3A_127 = arith.constant 0 : index
        %swap3A_128 = arith.constant 0 : index
        %swap3A_129 = vector.load %arg4[%swap3A_127, %swap3A_128] : memref<1024x1xi32, #tpu.memory_space<vmem>>, vector<1024x1xi32>
        tpu.vector_store %arg4[%swap3A_127, %swap3A_128], %min3A {strides = array<i32>} : memref<1024x1xi32, #tpu.memory_space<vmem>>, vector<1024x1xi32>,
      } else {
      }
      %add3A_80 = arith.constant 1 : i32
      %add3A_81 = arith.addi %sub3A_18, %add3A_80 : i32
      %mul3A_82 = arith.constant 1024 : i32
      %mul3A_83 = arith.muli %add3A_81, %mul3A_82 : i32
      %gt3A_84 = arith.constant 3072 : i32
      %gt3A_85 = arith.cmpi sgt, %mul3A_83, %gt3A_84 : i32
      %convert_element_type3A_86 = arith.extui %gt3A_85 : i1 to i32
      %cond3A_87 = arith.constant 0 : i32
      %cond3A_88 = arith.cmpi ne, %convert_element_type3A_86, %cond3A_87 : i32
      scf.if %cond3A_88 {
        %get3A_106 = arith.constant 0 : index
        %get3A_107 = arith.constant 0 : index
        %get3A_108 = vector.load %arg4[%get3A_106, %get3A_107] : memref<1024x1xi32, #tpu.memory_space<vmem>>, vector<1024x1xi32>
        %get3A_109 = arith.constant 3072 : index
        %get3A_110 = arith.constant 0 : index
        %get3A_111 = vector.load %arg9[%get3A_109, %get3A_110] : memref<4096x40xbf16, #tpu.memory_space<vmem>>, vector<512x40xbf16>
        %dot_general3A_112 = arith.constant dense<0.000000e+00> : vector<1024x512xf32>
        %dot_general3A_113 = tpu.matmul %get3A_21, %get3A_111, %dot_general3A_112 {dimension_numbers = #tpu.dot_dimension_numbers<[1], [1], [0], [0], [0, 0, 1, 0], [], []>, transpose_lhs_hint = false} : vector<1024x40xbf16>, vector<512x40xbf16>, vector<1024x512xf32> -> vector<1024x512xf32>
        %iota3A_114 = tpu.iota {dimensions = array<i32: 1>} : vector<1024x512xi32>
        %add3A_115 = arith.constant 3072 : i32
        %add3A_116 = vector.broadcast %add3A_115 : i32 to vector<1024x512xi32>
        %add3A_117 = arith.addi %iota3A_114, %add3A_116 : vector<1024x512xi32>
        %eq3A_118 = arith.constant 0.000000e+00 : f32
        %eq3A_119 = vector.broadcast %eq3A_118 : f32 to vector<1024x512xf32>
        %eq3A_120 = arith.cmpf oeq, %dot_general3A_113, %eq3A_119 : vector<1024x512xf32>
        %jit3A_121 = arith.constant 4096 : i32
        %broadcast_in_dim3A_122 = vector.broadcast %jit3A_121 : i32 to vector<1024x512xi32>
        %select_n3A_123 = arith.select %eq3A_120, %add3A_117, %broadcast_in_dim3A_122 : vector<1024x512xi1>, vector<1024x512xi32>
        %reduce_min3A_124 = arith.constant dense<2147483647> : vector<1024xi32>
        %reduce_min3A_125 = vector.multi_reduction <minsi>, %select_n3A_123, %reduce_min3A_124 [1] : vector<1024x512xi32> to vector<1024xi32>
        %broadcast_in_dim3A_126 = vector.shape_cast %reduce_min3A_125 : vector<1024xi32> to vector<1024x1xi32>
        %min3A = arith.minsi %get3A_108, %broadcast_in_dim3A_126 : vector<1024x1xi32>
        %swap3A_127 = arith.constant 0 : index
        %swap3A_128 = arith.constant 0 : index
        %swap3A_129 = vector.load %arg4[%swap3A_127, %swap3A_128] : memref<1024x1xi32, #tpu.memory_space<vmem>>, vector<1024x1xi32>
        tpu.vector_store %arg4[%swap3A_127, %swap3A_128], %min3A {strides = array<i32>} : memref<1024x1xi32, #tpu.memory_space<vmem>>, vector<1024x1xi32>,
      } else {
      }
      %add3A_89 = arith.constant 1 : i32
      %add3A_90 = arith.addi %sub3A_18, %add3A_89 : i32
      %mul3A_91 = arith.constant 1024 : i32
      %mul3A_92 = arith.muli %add3A_90, %mul3A_91 : i32
      %gt3A_93 = arith.constant 3584 : i32
      %gt3A_94 = arith.cmpi sgt, %mul3A_92, %gt3A_93 : i32
      %convert_element_type3A_95 = arith.extui %gt3A_94 : i1 to i32
      %cond3A_96 = arith.constant 0 : i32
      %cond3A_97 = arith.cmpi ne, %convert_element_type3A_95, %cond3A_96 : i32
      scf.if %cond3A_97 {
        %get3A_106 = arith.constant 0 : index
        %get3A_107 = arith.constant 0 : index
        %get3A_108 = vector.load %arg4[%get3A_106, %get3A_107] : memref<1024x1xi32, #tpu.memory_space<vmem>>, vector<1024x1xi32>
        %get3A_109 = arith.constant 3584 : index
        %get3A_110 = arith.constant 0 : index
        %get3A_111 = vector.load %arg9[%get3A_109, %get3A_110] : memref<4096x40xbf16, #tpu.memory_space<vmem>>, vector<512x40xbf16>
        %dot_general3A_112 = arith.constant dense<0.000000e+00> : vector<1024x512xf32>
        %dot_general3A_113 = tpu.matmul %get3A_21, %get3A_111, %dot_general3A_112 {dimension_numbers = #tpu.dot_dimension_numbers<[1], [1], [0], [0], [0, 0, 1, 0], [], []>, transpose_lhs_hint = false} : vector<1024x40xbf16>, vector<512x40xbf16>, vector<1024x512xf32> -> vector<1024x512xf32>
        %iota3A_114 = tpu.iota {dimensions = array<i32: 1>} : vector<1024x512xi32>
        %add3A_115 = arith.constant 3584 : i32
        %add3A_116 = vector.broadcast %add3A_115 : i32 to vector<1024x512xi32>
        %add3A_117 = arith.addi %iota3A_114, %add3A_116 : vector<1024x512xi32>
        %eq3A_118 = arith.constant 0.000000e+00 : f32
        %eq3A_119 = vector.broadcast %eq3A_118 : f32 to vector<1024x512xf32>
        %eq3A_120 = arith.cmpf oeq, %dot_general3A_113, %eq3A_119 : vector<1024x512xf32>
        %jit3A_121 = arith.constant 4096 : i32
        %broadcast_in_dim3A_122 = vector.broadcast %jit3A_121 : i32 to vector<1024x512xi32>
        %select_n3A_123 = arith.select %eq3A_120, %add3A_117, %broadcast_in_dim3A_122 : vector<1024x512xi1>, vector<1024x512xi32>
        %reduce_min3A_124 = arith.constant dense<2147483647> : vector<1024xi32>
        %reduce_min3A_125 = vector.multi_reduction <minsi>, %select_n3A_123, %reduce_min3A_124 [1] : vector<1024x512xi32> to vector<1024xi32>
        %broadcast_in_dim3A_126 = vector.shape_cast %reduce_min3A_125 : vector<1024xi32> to vector<1024x1xi32>
        %min3A = arith.minsi %get3A_108, %broadcast_in_dim3A_126 : vector<1024x1xi32>
        %swap3A_127 = arith.constant 0 : index
        %swap3A_128 = arith.constant 0 : index
        %swap3A_129 = vector.load %arg4[%swap3A_127, %swap3A_128] : memref<1024x1xi32, #tpu.memory_space<vmem>>, vector<1024x1xi32>
        tpu.vector_store %arg4[%swap3A_127, %swap3A_128], %min3A {strides = array<i32>} : memref<1024x1xi32, #tpu.memory_space<vmem>>, vector<1024x1xi32>,
      } else {
      }
      %get3A_98 = arith.constant 0 : index
      %get3A_99 = arith.constant 0 : index
      %get3A_100 = vector.load %arg4[%get3A_98, %get3A_99] : memref<1024x1xi32, #tpu.memory_space<vmem>>, vector<1024x1xi32>
      %mul3A_101 = arith.constant 1024 : i32
      %mul3A_102 = arith.muli %sub3A_18, %mul3A_101 : i32
      %swap3A_103 = arith.index_cast %mul3A_102 : i32 to index
      %swap3A_104 = arith.constant 0 : index
      %swap3A_105 = vector.load %arg10[%swap3A_103, %swap3A_104] : memref<4096x1xi32, #tpu.memory_space<vmem>>, vector<1024x1xi32>
      tpu.vector_store %arg10[%swap3A_103, %swap3A_104], %get3A_100 {strides = array<i32>} : memref<4096x1xi32, #tpu.memory_space<vmem>>, vector<1024x1xi32>,
    } else {
    }
    %eq3A_11 = arith.constant 13 : i32
    %eq3A_12 = arith.cmpi eq, %arg0, %eq3A_11 : i32
    %convert_element_type3A_13 = arith.extui %eq3A_12 : i1 to i32
    %cond3A_14 = arith.constant 0 : i32
    %cond3A_15 = arith.cmpi ne, %convert_element_type3A_13, %cond3A_14 : i32
    scf.if %cond3A_15 {
      %iota3A = tpu.iota {dimensions = array<i32: 0>} : vector<4096x1xi32>
      %get3A = arith.constant 0 : index
      %get3A_16 = arith.constant 0 : index
      %get3A_17 = vector.load %arg10[%get3A, %get3A_16] : memref<4096x1xi32, #tpu.memory_space<vmem>>, vector<4096x1xi32>
      %eq3A_18 = arith.cmpi eq, %get3A_17, %iota3A : vector<4096x1xi32>
      %get3A_19 = arith.constant 0 : index
      %get3A_20 = arith.constant 0 : index
      %get3A_21 = vector.load %arg11[%get3A_19, %get3A_20] : memref<4096x1xi32, #tpu.memory_space<vmem>>, vector<4096x1xi32>
      %eq3A_22 = arith.constant 0 : i32
      %eq3A_23 = vector.broadcast %eq3A_22 : i32 to vector<4096x1xi32>
      %eq3A_24 = arith.cmpi eq, %get3A_21, %eq3A_23 : vector<4096x1xi32>
      %and3A_25 = arith.andi %eq3A_18, %eq3A_24 : vector<4096x1xi1>
      %convert_element_type3A_26 = arith.extui %and3A_25 : vector<4096x1xi1> to vector<4096x1xi32>
      %convert_element_type3A_27 = arith.sitofp %convert_element_type3A_26 : vector<4096x1xi32> to vector<4096x1xf32>
      %iota3A_28 = tpu.iota {dimensions = array<i32: 0>} : vector<512x512xi32>
      %iota3A_29 = tpu.iota {dimensions = array<i32: 1>} : vector<512x512xi32>
      %ge3A = arith.cmpi sge, %iota3A_28, %iota3A_29 : vector<512x512xi32>
      %convert_element_type3A_30 = arith.extui %ge3A : vector<512x512xi1> to vector<512x512xi32>
      %convert_element_type3A_31 = arith.sitofp %convert_element_type3A_30 : vector<512x512xi32> to vector<512x512xf32>
      %slice3A = vector.extract_strided_slice %convert_element_type3A_27 {offsets = [0, 0], sizes = [512, 1], strides = [1, 1]} : vector<4096x1xf32> to vector<512x1xf32>
      %dot_general3A = arith.constant dense<0.000000e+00> : vector<512x1xf32>
      %dot_general3A_32 = tpu.matmul %convert_element_type3A_31, %slice3A, %dot_general3A {dimension_numbers = #tpu.dot_dimension_numbers<[1], [0], [0], [1], [0, 0, 1, 1], [], []>, transpose_lhs_hint = false} : vector<512x512xf32>, vector<512x1xf32>, vector<512x1xf32> -> vector<512x1xf32>
      %add3A = arith.constant 0.000000e+00 : f32
      %add3A_33 = vector.broadcast %add3A : f32 to vector<512x1xf32>
      %add3A_34 = arith.addf %dot_general3A_32, %add3A_33 : vector<512x1xf32>
      %convert_element_type3A_35 = arith.fptosi %add3A_34 : vector<512x1xf32> to vector<512x1xi32>
      %swap3A = arith.constant 0 : index
      %swap3A_36 = arith.constant 0 : index
      %swap3A_37 = vector.load %arg5[%swap3A, %swap3A_36] : memref<4096x1xi32, #tpu.memory_space<vmem>>, vector<512x1xi32>
      tpu.vector_store %arg5[%swap3A, %swap3A_36], %convert_element_type3A_35 {strides = array<i32>} : memref<4096x1xi32, #tpu.memory_space<vmem>>, vector<512x1xi32>,
      %reduce_sum3A = vector.shape_cast %slice3A : vector<512x1xf32> to vector<1x512x1xf32>
      %reduce_sum3A_38 = arith.constant dense<0.000000e+00> : vector<1xf32>
      %reduce_sum3A_39 = vector.multi_reduction <add>, %reduce_sum3A, %reduce_sum3A_38 [1, 2] : vector<1x512x1xf32> to vector<1xf32>
      %reduce_sum3A_40 = vector.shape_cast %reduce_sum3A_39 : vector<1xf32> to vector<1x1x1xf32>
      %reduce_sum3A_41 = vector.extract %reduce_sum3A_40[0, 0, 0] : f32 from vector<1x1x1xf32>
      %add3A_42 = arith.constant 0.000000e+00 : f32
      %add3A_43 = arith.addf %add3A_42, %reduce_sum3A_41 : f32
      %slice3A_44 = vector.extract_strided_slice %convert_element_type3A_27 {offsets = [512, 0], sizes = [512, 1], strides = [1, 1]} : vector<4096x1xf32> to vector<512x1xf32>
      %dot_general3A_45 = arith.constant dense<0.000000e+00> : vector<512x1xf32>
      %dot_general3A_46 = tpu.matmul %convert_element_type3A_31, %slice3A_44, %dot_general3A_45 {dimension_numbers = #tpu.dot_dimension_numbers<[1], [0], [0], [1], [0, 0, 1, 1], [], []>, transpose_lhs_hint = false} : vector<512x512xf32>, vector<512x1xf32>, vector<512x1xf32> -> vector<512x1xf32>
      %add3A_47 = vector.broadcast %add3A_43 : f32 to vector<512x1xf32>
      %add3A_48 = arith.addf %dot_general3A_46, %add3A_47 : vector<512x1xf32>
      %convert_element_type3A_49 = arith.fptosi %add3A_48 : vector<512x1xf32> to vector<512x1xi32>
      %swap3A_50 = arith.constant 512 : index
      %swap3A_51 = arith.constant 0 : index
      %swap3A_52 = vector.load %arg5[%swap3A_50, %swap3A_51] : memref<4096x1xi32, #tpu.memory_space<vmem>>, vector<512x1xi32>
      tpu.vector_store %arg5[%swap3A_50, %swap3A_51], %convert_element_type3A_49 {strides = array<i32>} : memref<4096x1xi32, #tpu.memory_space<vmem>>, vector<512x1xi32>,
      %reduce_sum3A_53 = vector.shape_cast %slice3A_44 : vector<512x1xf32> to vector<1x512x1xf32>
      %reduce_sum3A_54 = arith.constant dense<0.000000e+00> : vector<1xf32>
      %reduce_sum3A_55 = vector.multi_reduction <add>, %reduce_sum3A_53, %reduce_sum3A_54 [1, 2] : vector<1x512x1xf32> to vector<1xf32>
      %reduce_sum3A_56 = vector.shape_cast %reduce_sum3A_55 : vector<1xf32> to vector<1x1x1xf32>
      %reduce_sum3A_57 = vector.extract %reduce_sum3A_56[0, 0, 0] : f32 from vector<1x1x1xf32>
      %add3A_58 = arith.addf %add3A_43, %reduce_sum3A_57 : f32
      %slice3A_59 = vector.extract_strided_slice %convert_element_type3A_27 {offsets = [1024, 0], sizes = [512, 1], strides = [1, 1]} : vector<4096x1xf32> to vector<512x1xf32>
      %dot_general3A_60 = arith.constant dense<0.000000e+00> : vector<512x1xf32>
      %dot_general3A_61 = tpu.matmul %convert_element_type3A_31, %slice3A_59, %dot_general3A_60 {dimension_numbers = #tpu.dot_dimension_numbers<[1], [0], [0], [1], [0, 0, 1, 1], [], []>, transpose_lhs_hint = false} : vector<512x512xf32>, vector<512x1xf32>, vector<512x1xf32> -> vector<512x1xf32>
      %add3A_62 = vector.broadcast %add3A_58 : f32 to vector<512x1xf32>
      %add3A_63 = arith.addf %dot_general3A_61, %add3A_62 : vector<512x1xf32>
      %convert_element_type3A_64 = arith.fptosi %add3A_63 : vector<512x1xf32> to vector<512x1xi32>
      %swap3A_65 = arith.constant 1024 : index
      %swap3A_66 = arith.constant 0 : index
      %swap3A_67 = vector.load %arg5[%swap3A_65, %swap3A_66] : memref<4096x1xi32, #tpu.memory_space<vmem>>, vector<512x1xi32>
      tpu.vector_store %arg5[%swap3A_65, %swap3A_66], %convert_element_type3A_64 {strides = array<i32>} : memref<4096x1xi32, #tpu.memory_space<vmem>>, vector<512x1xi32>,
      %reduce_sum3A_68 = vector.shape_cast %slice3A_59 : vector<512x1xf32> to vector<1x512x1xf32>
      %reduce_sum3A_69 = arith.constant dense<0.000000e+00> : vector<1xf32>
      %reduce_sum3A_70 = vector.multi_reduction <add>, %reduce_sum3A_68, %reduce_sum3A_69 [1, 2] : vector<1x512x1xf32> to vector<1xf32>
      %reduce_sum3A_71 = vector.shape_cast %reduce_sum3A_70 : vector<1xf32> to vector<1x1x1xf32>
      %reduce_sum3A_72 = vector.extract %reduce_sum3A_71[0, 0, 0] : f32 from vector<1x1x1xf32>
      %add3A_73 = arith.addf %add3A_58, %reduce_sum3A_72 : f32
      %slice3A_74 = vector.extract_strided_slice %convert_element_type3A_27 {offsets = [1536, 0], sizes = [512, 1], strides = [1, 1]} : vector<4096x1xf32> to vector<512x1xf32>
      %dot_general3A_75 = arith.constant dense<0.000000e+00> : vector<512x1xf32>
      %dot_general3A_76 = tpu.matmul %convert_element_type3A_31, %slice3A_74, %dot_general3A_75 {dimension_numbers = #tpu.dot_dimension_numbers<[1], [0], [0], [1], [0, 0, 1, 1], [], []>, transpose_lhs_hint = false} : vector<512x512xf32>, vector<512x1xf32>, vector<512x1xf32> -> vector<512x1xf32>
      %add3A_77 = vector.broadcast %add3A_73 : f32 to vector<512x1xf32>
      %add3A_78 = arith.addf %dot_general3A_76, %add3A_77 : vector<512x1xf32>
      %convert_element_type3A_79 = arith.fptosi %add3A_78 : vector<512x1xf32> to vector<512x1xi32>
      %swap3A_80 = arith.constant 1536 : index
      %swap3A_81 = arith.constant 0 : index
      %swap3A_82 = vector.load %arg5[%swap3A_80, %swap3A_81] : memref<4096x1xi32, #tpu.memory_space<vmem>>, vector<512x1xi32>
      tpu.vector_store %arg5[%swap3A_80, %swap3A_81], %convert_element_type3A_79 {strides = array<i32>} : memref<4096x1xi32, #tpu.memory_space<vmem>>, vector<512x1xi32>,
      %reduce_sum3A_83 = vector.shape_cast %slice3A_74 : vector<512x1xf32> to vector<1x512x1xf32>
      %reduce_sum3A_84 = arith.constant dense<0.000000e+00> : vector<1xf32>
      %reduce_sum3A_85 = vector.multi_reduction <add>, %reduce_sum3A_83, %reduce_sum3A_84 [1, 2] : vector<1x512x1xf32> to vector<1xf32>
      %reduce_sum3A_86 = vector.shape_cast %reduce_sum3A_85 : vector<1xf32> to vector<1x1x1xf32>
      %reduce_sum3A_87 = vector.extract %reduce_sum3A_86[0, 0, 0] : f32 from vector<1x1x1xf32>
      %add3A_88 = arith.addf %add3A_73, %reduce_sum3A_87 : f32
      %slice3A_89 = vector.extract_strided_slice %convert_element_type3A_27 {offsets = [2048, 0], sizes = [512, 1], strides = [1, 1]} : vector<4096x1xf32> to vector<512x1xf32>
      %dot_general3A_90 = arith.constant dense<0.000000e+00> : vector<512x1xf32>
      %dot_general3A_91 = tpu.matmul %convert_element_type3A_31, %slice3A_89, %dot_general3A_90 {dimension_numbers = #tpu.dot_dimension_numbers<[1], [0], [0], [1], [0, 0, 1, 1], [], []>, transpose_lhs_hint = false} : vector<512x512xf32>, vector<512x1xf32>, vector<512x1xf32> -> vector<512x1xf32>
      %add3A_92 = vector.broadcast %add3A_88 : f32 to vector<512x1xf32>
      %add3A_93 = arith.addf %dot_general3A_91, %add3A_92 : vector<512x1xf32>
      %convert_element_type3A_94 = arith.fptosi %add3A_93 : vector<512x1xf32> to vector<512x1xi32>
      %swap3A_95 = arith.constant 2048 : index
      %swap3A_96 = arith.constant 0 : index
      %swap3A_97 = vector.load %arg5[%swap3A_95, %swap3A_96] : memref<4096x1xi32, #tpu.memory_space<vmem>>, vector<512x1xi32>
      tpu.vector_store %arg5[%swap3A_95, %swap3A_96], %convert_element_type3A_94 {strides = array<i32>} : memref<4096x1xi32, #tpu.memory_space<vmem>>, vector<512x1xi32>,
      %reduce_sum3A_98 = vector.shape_cast %slice3A_89 : vector<512x1xf32> to vector<1x512x1xf32>
      %reduce_sum3A_99 = arith.constant dense<0.000000e+00> : vector<1xf32>
      %reduce_sum3A_100 = vector.multi_reduction <add>, %reduce_sum3A_98, %reduce_sum3A_99 [1, 2] : vector<1x512x1xf32> to vector<1xf32>
      %reduce_sum3A_101 = vector.shape_cast %reduce_sum3A_100 : vector<1xf32> to vector<1x1x1xf32>
      %reduce_sum3A_102 = vector.extract %reduce_sum3A_101[0, 0, 0] : f32 from vector<1x1x1xf32>
      %add3A_103 = arith.addf %add3A_88, %reduce_sum3A_102 : f32
      %slice3A_104 = vector.extract_strided_slice %convert_element_type3A_27 {offsets = [2560, 0], sizes = [512, 1], strides = [1, 1]} : vector<4096x1xf32> to vector<512x1xf32>
      %dot_general3A_105 = arith.constant dense<0.000000e+00> : vector<512x1xf32>
      %dot_general3A_106 = tpu.matmul %convert_element_type3A_31, %slice3A_104, %dot_general3A_105 {dimension_numbers = #tpu.dot_dimension_numbers<[1], [0], [0], [1], [0, 0, 1, 1], [], []>, transpose_lhs_hint = false} : vector<512x512xf32>, vector<512x1xf32>, vector<512x1xf32> -> vector<512x1xf32>
      %add3A_107 = vector.broadcast %add3A_103 : f32 to vector<512x1xf32>
      %add3A_108 = arith.addf %dot_general3A_106, %add3A_107 : vector<512x1xf32>
      %convert_element_type3A_109 = arith.fptosi %add3A_108 : vector<512x1xf32> to vector<512x1xi32>
      %swap3A_110 = arith.constant 2560 : index
      %swap3A_111 = arith.constant 0 : index
      %swap3A_112 = vector.load %arg5[%swap3A_110, %swap3A_111] : memref<4096x1xi32, #tpu.memory_space<vmem>>, vector<512x1xi32>
      tpu.vector_store %arg5[%swap3A_110, %swap3A_111], %convert_element_type3A_109 {strides = array<i32>} : memref<4096x1xi32, #tpu.memory_space<vmem>>, vector<512x1xi32>,
      %reduce_sum3A_113 = vector.shape_cast %slice3A_104 : vector<512x1xf32> to vector<1x512x1xf32>
      %reduce_sum3A_114 = arith.constant dense<0.000000e+00> : vector<1xf32>
      %reduce_sum3A_115 = vector.multi_reduction <add>, %reduce_sum3A_113, %reduce_sum3A_114 [1, 2] : vector<1x512x1xf32> to vector<1xf32>
      %reduce_sum3A_116 = vector.shape_cast %reduce_sum3A_115 : vector<1xf32> to vector<1x1x1xf32>
      %reduce_sum3A_117 = vector.extract %reduce_sum3A_116[0, 0, 0] : f32 from vector<1x1x1xf32>
      %add3A_118 = arith.addf %add3A_103, %reduce_sum3A_117 : f32
      %slice3A_119 = vector.extract_strided_slice %convert_element_type3A_27 {offsets = [3072, 0], sizes = [512, 1], strides = [1, 1]} : vector<4096x1xf32> to vector<512x1xf32>
      %dot_general3A_120 = arith.constant dense<0.000000e+00> : vector<512x1xf32>
      %dot_general3A_121 = tpu.matmul %convert_element_type3A_31, %slice3A_119, %dot_general3A_120 {dimension_numbers = #tpu.dot_dimension_numbers<[1], [0], [0], [1], [0, 0, 1, 1], [], []>, transpose_lhs_hint = false} : vector<512x512xf32>, vector<512x1xf32>, vector<512x1xf32> -> vector<512x1xf32>
      %add3A_122 = vector.broadcast %add3A_118 : f32 to vector<512x1xf32>
      %add3A_123 = arith.addf %dot_general3A_121, %add3A_122 : vector<512x1xf32>
      %convert_element_type3A_124 = arith.fptosi %add3A_123 : vector<512x1xf32> to vector<512x1xi32>
      %swap3A_125 = arith.constant 3072 : index
      %swap3A_126 = arith.constant 0 : index
      %swap3A_127 = vector.load %arg5[%swap3A_125, %swap3A_126] : memref<4096x1xi32, #tpu.memory_space<vmem>>, vector<512x1xi32>
      tpu.vector_store %arg5[%swap3A_125, %swap3A_126], %convert_element_type3A_124 {strides = array<i32>} : memref<4096x1xi32, #tpu.memory_space<vmem>>, vector<512x1xi32>,
      %reduce_sum3A_128 = vector.shape_cast %slice3A_119 : vector<512x1xf32> to vector<1x512x1xf32>
      %reduce_sum3A_129 = arith.constant dense<0.000000e+00> : vector<1xf32>
      %reduce_sum3A_130 = vector.multi_reduction <add>, %reduce_sum3A_128, %reduce_sum3A_129 [1, 2] : vector<1x512x1xf32> to vector<1xf32>
      %reduce_sum3A_131 = vector.shape_cast %reduce_sum3A_130 : vector<1xf32> to vector<1x1x1xf32>
      %reduce_sum3A_132 = vector.extract %reduce_sum3A_131[0, 0, 0] : f32 from vector<1x1x1xf32>
      %add3A_133 = arith.addf %add3A_118, %reduce_sum3A_132 : f32
      %slice3A_134 = vector.extract_strided_slice %convert_element_type3A_27 {offsets = [3584, 0], sizes = [512, 1], strides = [1, 1]} : vector<4096x1xf32> to vector<512x1xf32>
      %dot_general3A_135 = arith.constant dense<0.000000e+00> : vector<512x1xf32>
      %dot_general3A_136 = tpu.matmul %convert_element_type3A_31, %slice3A_134, %dot_general3A_135 {dimension_numbers = #tpu.dot_dimension_numbers<[1], [0], [0], [1], [0, 0, 1, 1], [], []>, transpose_lhs_hint = false} : vector<512x512xf32>, vector<512x1xf32>, vector<512x1xf32> -> vector<512x1xf32>
      %add3A_137 = vector.broadcast %add3A_133 : f32 to vector<512x1xf32>
      %add3A_138 = arith.addf %dot_general3A_136, %add3A_137 : vector<512x1xf32>
      %convert_element_type3A_139 = arith.fptosi %add3A_138 : vector<512x1xf32> to vector<512x1xi32>
      %swap3A_140 = arith.constant 3584 : index
      %swap3A_141 = arith.constant 0 : index
      %swap3A_142 = vector.load %arg5[%swap3A_140, %swap3A_141] : memref<4096x1xi32, #tpu.memory_space<vmem>>, vector<512x1xi32>
      tpu.vector_store %arg5[%swap3A_140, %swap3A_141], %convert_element_type3A_139 {strides = array<i32>} : memref<4096x1xi32, #tpu.memory_space<vmem>>, vector<512x1xi32>,
    } else {
    }
    return
  }
  func.func @transform_0(%arg0: i32) -> (i32, i32) {
    %min3A = arith.constant 7 : i32
    %min3A_0 = arith.minsi %arg0, %min3A : i32
    %c0_i32 = arith.constant 0 : i32
    %c0_i32_1 = arith.constant 0 : i32
    return %min3A_0, %c0_i32 : i32, i32
  }
  func.func @transform_1(%arg0: i32) -> (i32, i32) {
    %c0_i32 = arith.constant 0 : i32
    %c0_i32_0 = arith.constant 0 : i32
    %c0_i32_1 = arith.constant 0 : i32
    return %c0_i32, %c0_i32_0 : i32, i32
  }
  func.func @transform_2(%arg0: i32) -> (i32, i32) {
    %c0_i32 = arith.constant 0 : i32
    %c0_i32_0 = arith.constant 0 : i32
    %c0_i32_1 = arith.constant 0 : i32
    return %c0_i32, %c0_i32_0 : i32, i32
  }
  func.func @transform_3(%arg0: i32) -> (i32, i32) {
    %sub3A = arith.constant 8 : i32
    %sub3A_0 = arith.subi %arg0, %sub3A : i32
    %sub3A_1 = arith.constant 1 : i32
    %sub3A_2 = arith.subi %sub3A_0, %sub3A_1 : i32
    %jit3A = arith.constant 0 : i32
    %jit3A_3 = arith.constant 3 : i32
    %max3A = arith.maxsi %jit3A, %sub3A_2 : i32
    %min3A = arith.minsi %jit3A_3, %max3A : i32
    %c0_i32 = arith.constant 0 : i32
    %c0_i32_4 = arith.constant 0 : i32
    return %min3A, %c0_i32 : i32, i32
  }
  func.func @transform_4(%arg0: i32) -> (i32, i32) {
    %c0_i32 = arith.constant 0 : i32
    %c0_i32_0 = arith.constant 0 : i32
    %c0_i32_1 = arith.constant 0 : i32
    return %c0_i32, %c0_i32_0 : i32, i32
  }
}

</mosaic_0001>

<sc_bundles>
// kernel: kernel.4.cloned.1.call-start
scs
__scs_entry_jumppad:
0x0: {  	(pc) =	sbr.rel $0x88, $3  }
0x1: {  	(tag) =	ssettag $0x0;
	lr =	simm.s32 $0x1  }
0x2: {  	[smem:$0x3F9F] =	sst lr;
	_ =	strace $0xD0000000  }
0x3: {  	_ = 	snop  }
0x4: {  	_ = 	snop  }
0x5: {  	_ = 	snop  }
0x6: {  	_ = 	snop  }
0x7: {  	_ = 	snop  }
__scs_overlays_trampoline_lowered:
0x8: {  	[smem:$0x3FAE] =	sst s0  }
0x9: {  	[smem:$0x3FAF] =	sst s1  }
0xa: {  	[smem:$0x3FB0] =	sst s2  }
0xb: {  	[smem:$0x3FB1] =	sst s3  }
0xc: {  	[smem:$0x3FB2] =	sst s4  }
0xd: {  	[smem:$0x3FB3] =	sst s5  }
0xe: {  	[smem:$0x3FB4] =	sst s6  }
0xf: {  	[smem:$0x3FB5] =	sst s7  }
0x10: {  	[smem:$0x3FB6] =	sst s8  }
0x11: {  	[smem:$0x3FB7] =	sst s9;
	s0 =	simm.s32 @!p0 $0x0  }
0x12: {  	s1 =	sld [smem:$0x3F9D];
	s0 =	simm.s32 @p0 $0x1  }
0x13: {  	[smem:$0x3FB8] =	sst s0;
	s0 =	simm.s32 @!p1 $0x0  }
0x14: {  	s2 =	sld [smem:$0x3F9C];
	s0 =	simm.s32 @p1 $0x1  }
0x15: {  	[smem:$0x3FB9] =	sst s0;
	s0 =	simm.s32 @!p2 $0x0  }
0x16: {  	s3 =	sld [smem:$0x3FDB];
	s0 =	simm.s32 @p2 $0x1  }
0x17: {  	s4 =	simm.s32 $0x1BF5;
	[smem:$0x3FBB] =	sst s0  }
0x18: {  	s0 =	sld [smem:$0x3F9E];
	_ =	swait.ge [sflag:s4], $0x0  }
0x19: {  	s7 =	sld [smem:$0x3F9F]  }
0x1a: {  	s8 =	sadd.s32 $0xFFFFE003, lr  }
0x1b: {  	s9 =	sadd.s32 $0xFFFFFEF7, lr;
	s5 =	simm.s32 $0xFFFFFFFF;
	p2 =	slt.u32 s8, $0xFFFFF086  }
0x1c: {  	p1 =	slt.u32 s9, $0xF7A;
	s5 =	simm.s32 @!p2 $0x0  }
0x1d: {  	s5 =	simm.s32 @p1 $0x1;
	p0 =	seq.s32 s7, s2  }
0x1e: {  	s7 =	smul.u32 @!p0 $0xF7A, s2;
	p2 =	seq.s32 @!p0 s5, $0x0  }
0x1f: {  	s9 =	smul.u32 $0xF7A, s1;
	s8 =	simm.s32 @!p0 $0x1BF5;
	p2 =	por !p2, p0  }
0x20: {  	[sflag:s8] =	ssyncset.s32 @!p0 $0xFFFFF086;
	s6 =	sadd.s32 @!p0 s3, s7;
	s7 =	simm.s32 @!p0 $0x108  }
0x21: {  	s3 =	sadd.s32 s3, s9;
	s6 =	sadd.s32 @!p0 $0x88, s6;
	s7 =	simm.s32 @p2 $0x1082  }
0x22: {  	[simem:s7], [sflag:s8] =	dma.local @!p0 [hbm:s6], $0xF7A  }
0x23: {  	s9 =	sor.u32 $0xD0000000, s2;
	s6 =	simm.s32 $0x108;
	_ =	swait.ge @!p0 [sflag:s8], $0x0  }
0x24: {  	s3 =	sadd.s32 $0x88, s3;
	s6 =	simm.s32 @!p1 $0x1082;
	[sflag:s4] =	ssyncset.s32 $0xFFFFF086  }
0x25: {  	[simem:s6], [sflag:s4] =	dma.local [hbm:s3], $0xF7A  }
0x26: {  	[smem:$0x3F9F] =	sst s1;
	(tag) =	ssettag s2;
	_ =	strace s9  }
0x27: {  	s1 =	sld [smem:$0x3FAF]  }
0x28: {  	s2 =	sld [smem:$0x3FB0]  }
0x29: {  	s4 =	sld [smem:$0x3FB2]  }
0x2a: {  	p0 =	seq.s32 s5, $0x0;
	s5 =	sld [smem:$0x3FB3]  }
0x2b: {  	s6 =	sld [smem:$0x3FB4]  }
0x2c: {  	s7 =	sld [smem:$0x3FB5]  }
0x2d: {  	s3 =	simm.s32 $0x108;
	s8 =	sld [smem:$0x3FB6]  }
0x2e: {  	s3 =	simm.s32 @!p0 $0x1082;
	s9 =	sld [smem:$0x3FB7]  }
0x2f: {  	lr =	sadd.s32 s0, s3;
	s0 =	sld [smem:$0x3FAE]  }
0x30: {  	s3 =	sld [smem:$0x3FB1]  }
0x31: {  	[smem:$0x3FBA] =	sst s10  }
0x32: {  	s10 =	sld [smem:$0x3FB8];
	_ =	sdelay $0x3  }
0x33: {  	p0 =	seq.s32 s10, $0x1;
	s10 =	sld [smem:$0x3FBA];
	_ =	sdelay $0x3  }
0x34: {  	[smem:$0x3FBA] =	sst s10  }
0x35: {  	s10 =	sld [smem:$0x3FB9];
	_ =	sdelay $0x3  }
0x36: {  	p1 =	seq.s32 s10, $0x1;
	s10 =	sld [smem:$0x3FBA];
	_ =	sdelay $0x3  }
0x37: {  	[smem:$0x3FBA] =	sst s10  }
0x38: {  	s10 =	sld [smem:$0x3FBB]  }
0x39: {  	_ = 	snop;
	(pc) =	sbr.ind lr, $3  }
0x3a: {  	_ = 	snop  }
0x3b: {  	_ = 	snop  }
0x3c: {  	p2 =	seq.s32 s10, $0x1;
	s10 =	sld [smem:$0x3FBA]  }
0x3d: {  	_ =	shalt  }
0x3e: {  	_ =	shalt  }
0x3f: {  	_ =	shalt  }
0x40: {  	_ =	shalt  }
0x41: {  	_ =	shalt  }
0x42: {  	_ =	shalt  }
0x43: {  	_ =	shalt  }
0x44: {  	_ =	shalt  }
0x45: {  	_ =	shalt  }
0x46: {  	_ =	shalt  }
0x47: {  	_ =	shalt  }
0x48: {  	_ =	shalt  }
0x49: {  	_ =	shalt  }
0x4a: {  	_ =	shalt  }
0x4b: {  	_ =	shalt  }
0x4c: {  	_ =	shalt  }
0x4d: {  	_ =	shalt  }
0x4e: {  	_ =	shalt  }
0x4f: {  	_ =	shalt  }
0x50: {  	_ =	shalt  }
0x51: {  	_ =	shalt  }
0x52: {  	_ =	shalt  }
0x53: {  	_ =	shalt  }
0x54: {  	_ =	shalt  }
0x55: {  	_ =	shalt  }
0x56: {  	_ =	shalt  }
0x57: {  	_ =	shalt  }
0x58: {  	_ =	shalt  }
0x59: {  	_ =	shalt  }
0x5a: {  	_ =	shalt  }
0x5b: {  	_ =	shalt  }
0x5c: {  	_ =	shalt  }
0x5d: {  	_ =	shalt  }
0x5e: {  	_ =	shalt  }
0x5f: {  	_ =	shalt  }
0x60: {  	_ =	shalt  }
0x61: {  	_ =	shalt  }
0x62: {  	_ =	shalt  }
0x63: {  	_ =	shalt  }
0x64: {  	_ =	shalt  }
0x65: {  	_ =	shalt  }
0x66: {  	_ =	shalt  }
0x67: {  	_ =	shalt  }
0x68: {  	_ =	shalt  }
0x69: {  	_ =	shalt  }
0x6a: {  	_ =	shalt  }
0x6b: {  	_ =	shalt  }
0x6c: {  	_ =	shalt  }
0x6d: {  	_ =	shalt  }
0x6e: {  	_ =	shalt  }
0x6f: {  	_ =	shalt  }
0x70: {  	_ =	shalt  }
0x71: {  	_ =	shalt  }
0x72: {  	_ =	shalt  }
0x73: {  	_ =	shalt  }
0x74: {  	_ =	shalt  }
0x75: {  	_ =	shalt  }
0x76: {  	_ =	shalt  }
0x77: {  	_ =	shalt  }
0x78: {  	_ =	shalt  }
0x79: {  	_ =	shalt  }
0x7a: {  	_ =	shalt  }
0x7b: {  	_ =	shalt  }
0x7c: {  	_ =	shalt  }
0x7d: {  	_ =	shalt  }
0x7e: {  	_ =	shalt  }
0x7f: {  	_ =	shalt  }
0x80: {  	_ =	shalt  }
0x81: {  	_ =	shalt  }
0x82: {  	_ =	shalt  }
0x83: {  	_ =	shalt  }
0x84: {  	_ =	shalt  }
0x85: {  	_ =	shalt  }
0x86: {  	_ =	shalt  }
0x87: {  	_ =	shalt  }
.Lfunc_end0:
.L_simem_size_0:
called_computation_lowered:
.L_overlay_start_0:
0x88: {  	s2 =	sld [smem:$0x3FD9]  }
0x89: {  	s3 =	sld [smem:$0x3FFE];
	_ =	sdelay $0x1  }
0x8a: {  	s1 =	srdreg.scid  }
0x8b: {  	s0 =	sand.u32 $0x1, s1  }
0x8c: {  	s17 =	sshll.u32 s0, $0xA;
	s2 =	sadd.s32 s3, s2  }
0x8d: {  	s2 =	sadd.s32 s2, s17  }
0x8e: {  	[smem:$0x3FC6] =	sst s2  }
0x8f: {  	_ = 	snop  }
0x90: {  	s2 =	sld [smem:$0x3FD0];
	(tm) =	ssettm $0x1  }
0x91: {  	s18 =	sld [smem:$0x3FFB];
	_ =	sdelay $0x3  }
0x92: {  	_ =	strace s18  }
0x93: {  	s3 =	sld [smem:$0x3FFC];
	_ =	sdelay $0x3  }
0x94: {  	_ =	strace s3  }
0x95: {  	s3 =	sld [smem:$0x3FFD];
	_ =	sdelay $0x3  }
0x96: {  	_ =	strace s3  }
0x97: {  	_ =	strace $0x8FFFFFFF  }
0x98: {  	s19 =	sld [smem:$0x3FDB];
	_ =	sdelay $0x1  }
0x99: {  	s4 =	simm.s32 $_scs_section_size  }
0x9a: {  	s5 =	simm.s32 $_size__tile_overlayer_lowered;
	s6 =	simm.s32 $_tile_overlayer_lowered  }
0x9b: {  	s22 =	simm.s32 $0x1BFF;
	s21 =	sshll.u32 s6, $0x1;
	s3 =	sadd.s32 s4, s19  }
0x9c: {  	s7 =	simm.s32 $0x0;
	s20 =	sshll.u32 s5, $0x1;
	s5 =	sadd.s32 s21, s3  }
0x9d: {  	[timem:s7], [sflag:s22] =	dma.local [hbm:s5], s20  }
0x9e: {  	_ =	swait.ge [sflag:s22], s20  }
0x9f: {  	s4 =	ssub.s32 $0x0, s20;
	[sflag:s22] =	ssyncset.done $0x0  }
0xa0: {  	[sflag:s22] =	ssyncadd.s32 s4;
	_ =	sdelay $0x1  }
0xa1: {  	s23 =	simm.s32 $0x1B8B  }
0xa2: {  	_ =	swait.ge [sflag:s23], $0x1  }
0xa3: {  	[sflag:s23] =	ssyncset.done $0x0  }
0xa4: {  	s25 =	simm.s32 $0x1B8E;
	s24 =	sld [smem:$0x3FFE];
	[sflag:s23] =	ssyncadd.s32 $0xFFFFFFFF  }
0xa5: {  	s26 =	simm.s32 $execute0_lowered;
	[smem:$0x3FD2] =	sst s25  }
0xa6: {  	s5 =	sshll.u32 s26, $0x1;
	_ =	strace $0x80000046;
	[dreg:$0x1] =	wrdreg $0xFFFFFFFF  }
0xa7: {  	s28 =	simm.s32 $_size_execute0_lowered;
	s3 =	sadd.s32 s3, s5;
	[dreg:$0x0] =	wrdreg $0x0  }
0xa8: {  	s5 =	sshll.u32 s28, $0x1;
	[dreg:$0x2] =	wrdreg s3  }
0xa9: {  	[dreg:$0x3] =	wrdreg s5  }
0xaa: {  	[dreg:$0x4] =	wrdreg $0xC0  }
0xab: {  	_ =	task [dreg:s7], $0x5FFFF  }
0xac: {  	[dreg:$0x1] =	wrdreg $0xFFFFFFFF  }
0xad: {  	[dreg:$0x0] =	wrdreg $0x60  }
0xae: {  	[dreg:$0x2] =	wrdreg s24  }
0xaf: {  	[dreg:$0x3] =	wrdreg s2  }
0xb0: {  	[dreg:$0x4] =	wrdreg $0x9  }
0xb1: {  	_ =	task.clear_ibuf [dreg:s7], $0x5FFFF;
	_ =	strace $0x90000046  }
0xb2: {  	s29 =	simm.s32 $0x9;
	_ =	strace $0x80000048  }
0xb3: {  	_ =	swait.ge [sflag:s29], $0x1  }
0xb4: {  	[sflag:s29] =	ssyncadd.s32 $0xFFFFFFFF  }
0xb5: {  	_ =	strace $0x90000048  }
0xb6: {  	_ =	sfence  }
0xb7: {  	s30 =	sld [smem:$0x0];
	_ =	sdelay $0x2  }
0xb8: {  	s31 =	sshll.u32 s1, $0xD;
	s1 =	sshrl.u32 s1, $0x2  }
0xb9: {  	s3 =	sand.u32 $0x4000, s31;
	s1 =	sadd.s32 s1, s30  }
0xba: {  	s0 =	sor.u32 s3, s0;
	s1 =	sshll.u32 s1, $0x11  }
0xbb: {  	s0 =	sor.u32 s1, s0  }
0xbc: {  	s0 =	sadd.s32 $0x8F2B, s0  }
0xbd: {  	[sflag:s0] =	ssyncadd.remote.s32 $0x1  }
0xbe: {  	_ =	sfence.sel $0xFFFF  }
0xbf: {  	[dreg:$0x0] =	wrdreg $0xFFFFFFFF;
	(pc) =	sbr.abs _section_cstart, $3  }
0xc0: {  	[dreg:$0x1] =	wrdreg $0xFFFFFFFF  }
0xc1: {  	_ =	task.clear_ibuf [dreg:s7], $0x2FFFF;
	_ =	strace $0x9FFFFFFF  }
0xc2: {  	(tm) =	ssettm $0x7FFFFFFF  }
0xc3: {  	_ =	shalt  }
tec
execute0_lowered:
.L_overlay_start_1:
0x0: {  	(tag) =	ssettag $0x1  }
0x1: {  	s5 =	srdreg.scid  }
0x2: {  	s5 =	sand.u32 $0x1, s5  }
0x3: {  	s7 =	sshll.u32 s5, $0x4;
	s5 =	ssub.s32 $0x2, s5  }
0x4: {  	s3 =	rddreg [dreg:$0x0];
	s8 =	sshrl.u32 s5, $0x1  }
0x5: {  	s4 =	rddreg [dreg:$0x1];
	s31 =	ssub.s32 s5, s8  }
0x6: {  	s0 =	rddreg [dreg:$0x2];
	s2 =	simm.s32 $0x0;
	s12 =	smax.u32 s31, $0x1  }
0x7: {  	s1 =	stileid.u32;
	s9 =	simm.s32 $0x80;
	p1 =	sne.s32 s12, $0x1  }
.Ltmp0:
0x8: {  	s10 =	simm.s32 $0x100;
	s6 =	sshll.u32 s1, $0x5;
	(pc) =	sbr.rel @!p1 .LBB2_3-.Ltmp0, $4  }
0x9: {  	p0 =	por $0x0, $0x0;
	[smem:$0x7FF] =	sst s2;
	s7 =	sor.u32 s7, s6  }
0xa: {  	_ =	strace $0x80000047;
	s6 =	sadd.s32 $0x400, s3;
	s11 =	sadd.s32 s3, s7  }
0xb: {  	s4 =	sadd.s32 s4, s7;
	s3 =	simm.s32 $0x2;
	s7 =	simm.s32 $0x1  }
0xc: {  	s5 =	simm.s32 $0x180;
	s8 =	sadd.s32 $0x200, s11;
	s12 =	sadd.s32 $0xFFFFFFFF, s12  }
0xd: {  	[tilespmem:s2], [sflag:$0x2] =	stream.linear.gather [hbm4b:s11+s2], $0x80, $0x38;
	[tilespmem:$0x200] =	vst v63  }
0xe: {  	_ =	swait.ge [sflag:s3], $0x80  }
0xf: {  	[sflag:s3] =	ssyncset.done $0x0  }
0x10: {  	[sflag:s3] =	ssyncadd.s32 $0xFFFFFF80  }
0x11: {  	[tilespmem:s9], [sflag:$0x2] =	stream.linear.gather [hbm4b:s8+s2], $0x80, $0x38;
	[tilespmem:$0x200] =	vst v63  }
0x12: {  	_ =	swait.ge [sflag:s3], $0x80  }
0x13: {  	[sflag:s3] =	ssyncset.done $0x0  }
0x14: {  	[sflag:s3] =	ssyncadd.s32 $0xFFFFFF80  }
0x15: {  	[tilespmem:s10], [sflag:$0x1] =	stream.indirect.gather [hbm4b:s6+s9], $0x1, s2, s9, $0xb8;
	[tilespmem:$0x200] =	vst v63  }
0x16: {  	_ =	swait.ge [sflag:s7], $0x80  }
0x17: {  	[sflag:s7] =	ssyncset.done $0x0  }
0x18: {  	[sflag:s7] =	ssyncadd.s32 $0xFFFFFF80  }
0x19: {  	v0 =	vld [tilespmem:$0x160]  }
0x1a: {  	v1 =	vld [tilespmem:$0x140]  }
0x1b: {  	v2 =	vld [tilespmem:$0x170]  }
0x1c: {  	v3 =	vld [tilespmem:$0x150]  }
0x1d: {  	v4 =	vld [tilespmem:$0x100]  }
0x1e: {  	v5 =	vld [tilespmem:$0x110]  }
0x1f: {  	v6 =	vld [tilespmem:$0xD0]  }
0x20: {  	v7 =	vld [tilespmem:$0x90]  }
0x21: {  	v8 =	vld [tilespmem:$0x80]  }
0x22: {  	v9 =	vld [tilespmem:$0xF0]  }
0x23: {  	v10 =	vld [tilespmem:$0xC0]  }
0x24: {  	v11 =	vld [tilespmem:$0xE0]  }
0x25: {  	v61 =	vld [tilespmem:$0xA0];
	vm0 =	veq.s32 v6, $0x1  }
0x26: {  	v62 =	vld [tilespmem:$0x120];
	vm1 =	veq.s32 v7, $0x1;
	v3 =	vsel vm0, $0x0, v3  }
0x27: {  	v63 =	vld [tilespmem:$0xB0];
	vm10 =	veq.s32 v9, $0x1;
	[tilespmem:$0x1D0] =	vst v3;
	v3 =	vsel vm1, $0x0, v5  }
0x28: {  	p1 =	sne.s32 s12, $0x1;
	vm11 =	veq.s32 v10, $0x1;
	v2 =	vsel vm10, $0x0, v2;
	[tilespmem:$0x190] =	vst v3;
	v3 =	vld [tilespmem:$0x130]  }
.Ltmp1:
0x29: {  	vm12 =	veq.s32 v11, $0x1;
	v1 =	vsel vm11, $0x0, v1;
	[tilespmem:$0x1F0] =	vst v2;
	(pc) =	sbr.rel @!p1 .LBB2_3-.Ltmp1, $4  }
0x2a: {  	vm13 =	veq.s32 v8, $0x1;
	v0 =	vsel vm12, $0x0, v0;
	[tilespmem:$0x1C0] =	vst v1  }
0x2b: {  	vm14 =	veq.s32 v61, $0x1;
	v1 =	vsel vm13, $0x0, v4;
	[tilespmem:$0x1E0] =	vst v0  }
0x2c: {  	vm15 =	veq.s32 v63, $0x1;
	v0 =	vsel vm14, $0x0, v62;
	[tilespmem:$0x180] =	vst v1  }
0x2d: {  	s12 =	sadd.s32 $0xFFFFFFFF, s12;
	p0 =	por $0x1, $0x1;
	[tilespmem:$0x1A0] =	vst v0;
	v0 =	vsel vm15, $0x0, v3  }
.LBB2_2:
0x2e: {  	p1 =	sne.s32 s12, $0x1;
	s12 =	sadd.s32 $0xFFFFFFFF, s12;
	[tilespmem:$0x1B0] =	vst v0  }
0x2f: {  	[hbm4b:s4+s2] =	stream.linear.scatter [tilespmem:s5], [sflag:$0x2], $0x80, $0x38;
	[tilespmem:$0x200] =	vst v63  }
0x30: {  	_ =	swait.ge [sflag:s3], $0x80  }
0x31: {  	[sflag:s3] =	ssyncset.done $0x0  }
0x32: {  	[sflag:s3] =	ssyncadd.s32 $0xFFFFFF80  }
0x33: {  	[tilespmem:s2], [sflag:$0x2] =	stream.linear.gather [hbm4b:s11+s2], $0x80, $0x38;
	[tilespmem:$0x200] =	vst v63  }
0x34: {  	_ =	swait.ge [sflag:s3], $0x80  }
0x35: {  	[sflag:s3] =	ssyncset.done $0x0  }
0x36: {  	[sflag:s3] =	ssyncadd.s32 $0xFFFFFF80  }
0x37: {  	[tilespmem:s9], [sflag:$0x2] =	stream.linear.gather [hbm4b:s8+s2], $0x80, $0x38;
	[tilespmem:$0x200] =	vst v63  }
0x38: {  	_ =	swait.ge [sflag:s3], $0x80  }
0x39: {  	[sflag:s3] =	ssyncset.done $0x0  }
0x3a: {  	[sflag:s3] =	ssyncadd.s32 $0xFFFFFF80  }
0x3b: {  	[tilespmem:s10], [sflag:$0x1] =	stream.indirect.gather [hbm4b:s6+s9], $0x1, s2, s9, $0xb8;
	[tilespmem:$0x200] =	vst v63  }
0x3c: {  	_ =	swait.ge [sflag:s7], $0x80  }
0x3d: {  	[sflag:s7] =	ssyncset.done $0x0  }
0x3e: {  	[sflag:s7] =	ssyncadd.s32 $0xFFFFFF80  }
0x3f: {  	v0 =	vld [tilespmem:$0x160]  }
0x40: {  	v1 =	vld [tilespmem:$0x140]  }
0x41: {  	v2 =	vld [tilespmem:$0x170]  }
0x42: {  	v3 =	vld [tilespmem:$0x150]  }
0x43: {  	v4 =	vld [tilespmem:$0x100]  }
0x44: {  	v5 =	vld [tilespmem:$0x110]  }
0x45: {  	v6 =	vld [tilespmem:$0xD0]  }
0x46: {  	v7 =	vld [tilespmem:$0x90]  }
0x47: {  	v8 =	vld [tilespmem:$0x80]  }
0x48: {  	v9 =	vld [tilespmem:$0xF0]  }
0x49: {  	v10 =	vld [tilespmem:$0xC0]  }
0x4a: {  	vm0 =	veq.s32 v6, $0x1;
	v6 =	vld [tilespmem:$0xE0]  }
0x4b: {  	vm1 =	veq.s32 v7, $0x1;
	v7 =	vld [tilespmem:$0xA0];
	v3 =	vsel vm0, $0x0, v3  }
0x4c: {  	vm0 =	veq.s32 v8, $0x1;
	v5 =	vsel vm1, $0x0, v5;
	v8 =	vld [tilespmem:$0x120];
	[tilespmem:$0x1D0] =	vst v3  }
0x4d: {  	v3 =	vsel vm0, $0x0, v4;
	v4 =	vld [tilespmem:$0xB0];
	vm0 =	veq.s32 v9, $0x1  }
0x4e: {  	[tilespmem:$0x190] =	vst v5;
	v5 =	vld [tilespmem:$0x130];
	vm1 =	veq.s32 v10, $0x1;
	v2 =	vsel vm0, $0x0, v2  }
.Ltmp2:
0x4f: {  	v1 =	vsel vm1, $0x0, v1;
	vm0 =	veq.s32 v6, $0x1;
	[tilespmem:$0x1F0] =	vst v2;
	(pc) =	sbr.rel @p1 .LBB2_2-.Ltmp2, $4  }
0x50: {  	vm1 =	veq.s32 v7, $0x1;
	[tilespmem:$0x1C0] =	vst v1;
	v0 =	vsel vm0, $0x0, v0  }
0x51: {  	v1 =	vsel vm1, $0x0, v8;
	[tilespmem:$0x1E0] =	vst v0  }
0x52: {  	[tilespmem:$0x180] =	vst v3;
	vm0 =	veq.s32 v4, $0x1  }
0x53: {  	[tilespmem:$0x1A0] =	vst v1;
	v0 =	vsel vm0, $0x0, v5  }
.LBB2_3:
0x54: {  	[tilespmem:$0x1B0] =	vst @p0 v0  }
0x55: {  	[hbm4b:s4+s2] =	stream.linear.scatter @p0 [tilespmem:s5], [sflag:$0x2], $0x80, $0x38;
	[tilespmem:$0x200] =	vst v63  }
0x56: {  	_ =	swait.ge @p0 [sflag:s3], $0x80  }
0x57: {  	[sflag:s3] =	ssyncset.done @p0 $0x0  }
0x58: {  	[sflag:s3] =	ssyncadd.s32 @p0 $0xFFFFFF80  }
0x59: {  	[tilespmem:s2], [sflag:$0x2] =	stream.linear.gather [hbm4b:s11+s2], $0x80, $0x38;
	[tilespmem:$0x200] =	vst v63  }
0x5a: {  	_ =	swait.ge [sflag:s3], $0x80  }
0x5b: {  	[sflag:s3] =	ssyncset.done $0x0  }
0x5c: {  	[sflag:s3] =	ssyncadd.s32 $0xFFFFFF80  }
0x5d: {  	[tilespmem:s9], [sflag:$0x2] =	stream.linear.gather [hbm4b:s8+s2], $0x80, $0x38;
	[tilespmem:$0x200] =	vst v63  }
0x5e: {  	_ =	swait.ge [sflag:s3], $0x80  }
0x5f: {  	[sflag:s3] =	ssyncset.done $0x0  }
0x60: {  	[sflag:s3] =	ssyncadd.s32 $0xFFFFFF80  }
0x61: {  	[tilespmem:s10], [sflag:$0x1] =	stream.indirect.gather [hbm4b:s6+s9], $0x1, s2, s9, $0xb8;
	[tilespmem:$0x200] =	vst v63  }
0x62: {  	_ =	swait.ge [sflag:s7], $0x80  }
0x63: {  	[sflag:s7] =	ssyncset.done $0x0  }
0x64: {  	[sflag:s7] =	ssyncadd.s32 $0xFFFFFF80  }
0x65: {  	v55 =	vld [tilespmem:$0x160]  }
0x66: {  	v1 =	vld [tilespmem:$0x140]  }
0x67: {  	v2 =	vld [tilespmem:$0x170]  }
0x68: {  	v3 =	vld [tilespmem:$0x150]  }
0x69: {  	v4 =	vld [tilespmem:$0x100]  }
0x6a: {  	v5 =	vld [tilespmem:$0x110]  }
0x6b: {  	v6 =	vld [tilespmem:$0xD0]  }
0x6c: {  	v7 =	vld [tilespmem:$0x90]  }
0x6d: {  	v8 =	vld [tilespmem:$0x80]  }
0x6e: {  	v9 =	vld [tilespmem:$0xF0]  }
0x6f: {  	v10 =	vld [tilespmem:$0xC0]  }
0x70: {  	v11 =	vld [tilespmem:$0xE0]  }
0x71: {  	v56 =	vld [tilespmem:$0xA0];
	vm0 =	veq.s32 v6, $0x1  }
0x72: {  	v57 =	vld [tilespmem:$0x120];
	vm1 =	veq.s32 v7, $0x1;
	v3 =	vsel vm0, $0x0, v3  }
0x73: {  	v59 =	vld [tilespmem:$0xB0];
	vm10 =	veq.s32 v9, $0x1;
	v58 =	vsel vm1, $0x0, v5;
	[tilespmem:$0x1D0] =	vst v3  }
0x74: {  	v60 =	vld [tilespmem:$0x130];
	vm11 =	veq.s32 v10, $0x1;
	v2 =	vsel vm10, $0x0, v2;
	[tilespmem:$0x190] =	vst v58  }
0x75: {  	vm12 =	veq.s32 v11, $0x1;
	v1 =	vsel vm11, $0x0, v1;
	[tilespmem:$0x1F0] =	vst v2  }
0x76: {  	vm13 =	veq.s32 v8, $0x1;
	v0 =	vsel vm12, $0x0, v55;
	[tilespmem:$0x1C0] =	vst v1  }
0x77: {  	vm14 =	veq.s32 v56, $0x1;
	v61 =	vsel vm13, $0x0, v4;
	[tilespmem:$0x1E0] =	vst v0  }
0x78: {  	vm15 =	veq.s32 v59, $0x1;
	v62 =	vsel vm14, $0x0, v57;
	[tilespmem:$0x180] =	vst v61  }
0x79: {  	v63 =	vsel vm15, $0x0, v60;
	[tilespmem:$0x1A0] =	vst v62  }
0x7a: {  	[tilespmem:$0x1B0] =	vst v63  }
0x7b: {  	[hbm4b:s4+s2] =	stream.linear.scatter [tilespmem:s5], [sflag:$0x2], $0x80, $0x38;
	[tilespmem:$0x200] =	vst v63  }
0x7c: {  	_ =	swait.ge [sflag:s3], $0x80  }
0x7d: {  	[sflag:s3] =	ssyncset.done $0x0  }
0x7e: {  	[sflag:s3] =	ssyncadd.s32 $0xFFFFFF80  }
0x7f: {  	_ =	sfence.sel $0x180000  }
0x80: {  	[bflag:$0x0] =	sbarrier.arrive $0xFFFF  }
0x81: {  	p0 =	sne.s32 s1, $0x0;
	_ =	strace $0x90000047  }
0x82: {  	s0 =	sadd.s32 @!p0 $0x100000, s0;
	[bflag:$0x2] =	sbarrier.arrive $0xFFFF  }
0x83: {  	[sflag:s0] =	ssyncadd.tile.s32 @!p0 $0x1;
	_ =	shalt  }
.Lfunc_end2:
_tile_overlayer_lowered:
.L_overlay_start_2:
0x84: {  	(tag) =	ssettag $0x2  }
0x85: {  	s0 =	rddreg [dreg:$0x0];
	s2 =	stileid.u32  }
0x86: {  	s1 =	rddreg [dreg:$0x1];
	p0 =	sne.s32 s2, $0x0  }
0x87: {  	s3 =	rddreg [dreg:$0x2];
	[bflag:$0x3] =	sbarrier.arrive $0xFFFF;
	s2 =	simm.s32 @!p0 $0x1C02  }
0x88: {  	[timem:s3], [sflag:s2] =	dma.local @!p0 [hbm:s0], s1  }
0x89: {  	s0 =	simm.s32 @!p0 $0x2  }
0x8a: {  	_ =	swait.ge @!p0 [sflag:s0], s1  }
0x8b: {  	s1 =	ssub.s32 @!p0 $0x0, s1;
	[sflag:s0] =	ssyncset.done @!p0 $0x0  }
0x8c: {  	[sflag:s0] =	ssyncadd.s32 @!p0 s1  }
0x8d: {  	[bflag:$0x3] =	sbarrier.arrive $0xFFFF  }
0x8e: {  	_ =	shalt  }

</sc_bundles>
